<compile_context>
chip_gen: v7x
topology: tpu7x:2x2x1
jax: 0.10.2.dev20260603
libtpu: 0.0.44.dev20260713+nightly
codegen_flags: <defaults>
</compile_context>

<pallas_src>
import dataclasses
import functools

import jax
import jax.numpy as jnp
from jax.experimental import pallas as pl
from jax.experimental.pallas import tpu as pltpu
from jax.experimental.pallas import tpu_sc as plsc


def _sc_compiler_params():
    cp = pltpu.CompilerParams()
    if "needs_layout_passes" in pltpu.CompilerParams.__dataclass_fields__:
        cp = dataclasses.replace(cp, needs_layout_passes=False)
    return cp


def _sc_sample(table, px, py, pz, n_points, channels, grid_cells, n_per_batch,
               scale, dims):
    NC, NS = 2, 16
    NW = NC * NS
    K = 128
    pts_w = n_points // NW
    per_w = pts_w * 8
    chunks = per_w // K
    ppc = K // 8
    sx, sy, sz = dims
    mesh = plsc.VectorSubcoreMesh(core_axis_name="c", subcore_axis_name="s")

    @functools.partial(
        pl.kernel,
        out_type=jax.ShapeDtypeStruct((n_points * 8, channels), jnp.float32),
        mesh=mesh,
        compiler_params=_sc_compiler_params(),
        scratch_types=[
            pltpu.VMEM((pts_w,), jnp.float32),
            pltpu.VMEM((pts_w,), jnp.float32),
            pltpu.VMEM((pts_w,), jnp.float32),
            pltpu.VMEM((K,), jnp.int32),
            pltpu.VMEM((K,), jnp.int32),
            pltpu.VMEM((K, channels), jnp.float32),
            pltpu.VMEM((K, channels), jnp.float32),
            pltpu.SemaphoreType.DMA,
            pltpu.SemaphoreType.DMA,
            pltpu.SemaphoreType.DMA,
            pltpu.SemaphoreType.DMA,
        ],
    )
    def sample_kernel(table_hbm, x_hbm, y_hbm, z_hbm, out_hbm,
                      xv, yv, zv, ib0, ib1, buf0, buf1, sg0, sg1, sw0, sw1):
        w = jax.lax.axis_index("s") * NC + jax.lax.axis_index("c")
        p0 = w * pts_w
        pltpu.sync_copy(x_hbm.at[pl.ds(p0, pts_w)], xv)
        pltpu.sync_copy(y_hbm.at[pl.ds(p0, pts_w)], yv)
        pltpu.sync_copy(z_hbm.at[pl.ds(p0, pts_w)], zv)
        boff = (w // (NW // 2)) * grid_cells
        base = w * per_w
        lane = jax.lax.broadcasted_iota(jnp.int32, (16,), 0)

        def compute_idx(g, ib):
            @pl.loop(0, ppc // 16)
            def _(q):
                s = g * ppc + q * 16
                lx = ((xv[pl.ds(s, 16)] + 1.0) * scale).astype(jnp.int32)
                ly = ((yv[pl.ds(s, 16)] + 1.0) * scale).astype(jnp.int32)
                lz = ((zv[pl.ds(s, 16)] + 1.0) * scale).astype(jnp.int32)
                for k in range(8):
                    cx = jnp.clip(lx + ((k >> 2) & 1), 0, sx - 1)
                    cy = jnp.clip(ly + ((k >> 1) & 1), 0, sy - 1)
                    cz = jnp.clip(lz + (k & 1), 0, sz - 1)
                    v = cx * (sy * sz) + cy * sz + cz + boff
                    plsc.store_scatter(ib, [(lane + q * 16) * 8 + k], v)

        def gather(ib, buf, sem):
            return pltpu.make_async_copy(table_hbm.at[ib], buf, sem)

        def wb(g, buf, sem):
            return pltpu.make_async_copy(buf, out_hbm.at[pl.ds(base + g * K, K)], sem)

        compute_idx(0, ib0)
        gather(ib0, buf0, sg0).start()
        compute_idx(1, ib1)
        gather(ib1, buf1, sg1).start()

        @pl.loop(0, chunks // 2)
        def _(h):
            g = 2 * h
            gather(ib0, buf0, sg0).wait()
            wb(g, buf0, sw0).start()
            gather(ib1, buf1, sg1).wait()
            wb(g + 1, buf1, sw1).start()
            wb(g, buf0, sw0).wait()

            @pl.when(h < chunks // 2 - 1)
            def _():
                compute_idx(g + 2, ib0)
                gather(ib0, buf0, sg0).start()

            wb(g + 1, buf1, sw1).wait()

            @pl.when(h < chunks // 2 - 1)
            def _():
                compute_idx(g + 3, ib1)
                gather(ib1, buf1, sg1).start()

    return sample_kernel(table, px, py, pz)


def kernel(ptcloud, cubic_features):
    B, C, sx, sy, sz = cubic_features.shape
    N = ptcloud.shape[1]
    S = sx * sy * sz
    scale = (sx - 1) * 0.5

    table = cubic_features.reshape(B, C, S).transpose(0, 2, 1).reshape(B * S, C)
    px = ptcloud[:, :, 0].reshape(B * N)
    py = ptcloud[:, :, 1].reshape(B * N)
    pz = ptcloud[:, :, 2].reshape(B * N)
    out = _sc_sample(table, px, py, pz, B * N, C, S, N, scale, (sx, sy, sz))
    return out.reshape(B, N, 8, C)

# --- scband reference (transcript-rebuilt; emitter-appended) ---
"""Pipeline reference for scband-cubic-feature-sampling-3487513444832 (READ-ONLY COPY).

The authoritative reference and input builder live on the scoring server;
editing this copy changes nothing except your own understanding.
"""

import jax, jax.numpy as jnp
import numpy as np


def setup_inputs(seed: int = 0) -> dict:
    key = jax.random.key(seed)
    k1, k2 = jax.random.split(key)
    # ptcloud coordinates in [-1, 1] as expected by the module
    ptcloud = jax.random.uniform(k1, (2, 16384, 3), dtype=jnp.float32, minval=-1.0, maxval=1.0)
    cubic_features = jax.random.normal(k2, (2, 256, 32, 32, 32), dtype=jnp.float32)
    return {"ptcloud": ptcloud, "cubic_features": cubic_features}


def reference(ptcloud, cubic_features):
    # CubicFeatureSampling with neighborhood_size=1 (8-corner sampling, GRNet semantics).
    B, C, sx, sy, sz = cubic_features.shape
    N = ptcloud.shape[1]
    scales = jnp.array([sx, sy, sz], dtype=jnp.float32)
    scaling_factors = (scales - 1.0) * 0.5
    # map [-1, 1] -> [0, scale-1]
    p = (ptcloud + 1.0) * scaling_factors[None, None, :]  # (B, N, 3)
    lower = jnp.floor(p).astype(jnp.int32)                 # (B, N, 3)
    # upper = ceil(p); if lower == upper: upper += 1  => upper == lower + 1 always
    # 8 corner offsets, x outermost / z innermost to match CUDA loop order
    offs = jnp.array([[i, j, k] for i in (0, 1) for j in (0, 1) for k in (0, 1)], dtype=jnp.int32)  # (8, 3)
    corners = lower[:, :, None, :] + offs[None, None, :, :]  # (B, N, 8, 3)
    dims = jnp.array([sx, sy, sz], dtype=jnp.int32)
    valid = jnp.all((corners >= 0) & (corners < dims[None, None, None, :]), axis=-1)  # (B, N, 8)
    cx = jnp.clip(corners[..., 0], 0, sx - 1)
    cy = jnp.clip(corners[..., 1], 0, sy - 1)
    cz = jnp.clip(corners[..., 2], 0, sz - 1)
    flat_idx = cx * (sy * sz) + cy * sz + cz  # (B, N, 8)
    feats_flat = cubic_features.reshape(B, C, sx * sy * sz)
    gathered = jnp.take_along_axis(feats_flat, flat_idx.reshape(B, 1, N * 8), axis=2)  # (B, C, N*8)
    gathered = gathered.reshape(B, C, N, 8).transpose(0, 2, 3, 1)  # (B, N, 8, C)
    point_features = jnp.where(valid[..., None], gathered, 0.0)
    return point_features

if __name__ == "__main__":
    import jax
    _d = setup_inputs()
    print(jax.jit(kernel)(*tuple(_d.values())))

</pallas_src>

<mosaic_0001>
#map = affine_map<(d0, d1) -> (0, 0)>
#map1 = affine_map<(d0, d1) -> (0)>
module attributes {stable_mosaic.version = 14 : i64} {
  func.func @sample_kernel(%arg0: i32, %arg1: i32, %arg2: memref<65536x256xf32, #tpu.memory_space<hbm>>, %arg3: memref<32768xf32, #tpu.memory_space<hbm>>, %arg4: memref<32768xf32, #tpu.memory_space<hbm>>, %arg5: memref<32768xf32, #tpu.memory_space<hbm>>, %arg6: memref<262144x256xf32, #tpu.memory_space<hbm>>, %arg7: memref<1024xf32, #tpu.memory_space<vmem>>, %arg8: memref<1024xf32, #tpu.memory_space<vmem>>, %arg9: memref<1024xf32, #tpu.memory_space<vmem>>, %arg10: memref<128xi32, #tpu.memory_space<vmem>>, %arg11: memref<128xi32, #tpu.memory_space<vmem>>, %arg12: memref<128x256xf32, #tpu.memory_space<vmem>>, %arg13: memref<128x256xf32, #tpu.memory_space<vmem>>, %arg14: memref<!tpu.dma_semaphore, #tpu.memory_space<semaphore_mem>>, %arg15: memref<!tpu.dma_semaphore, #tpu.memory_space<semaphore_mem>>, %arg16: memref<!tpu.dma_semaphore, #tpu.memory_space<semaphore_mem>>, %arg17: memref<!tpu.dma_semaphore, #tpu.memory_space<semaphore_mem>>) attributes {dimension_semantics = [#tpu.dimension_semantics<core_parallel>, #tpu.dimension_semantics<subcore_parallel>], iteration_bounds = array<i64: 2, 16>, scalar_prefetch = 0 : i64, scratch_operands = 11 : i64, tpu.core_type = #tpu.core_type<sc_vector_subcore>, window_params = [{transform_indices = #map}, {transform_indices = #map1}, {transform_indices = #map1}, {transform_indices = #map1}, {transform_indices = #map}]} {
    %mul3A = arith.constant 2 : i32
    %mul3A_0 = arith.muli %arg1, %mul3A : i32
    %add3A = arith.addi %mul3A_0, %arg0 : i32
    %mul3A_1 = arith.constant 1024 : i32
    %mul3A_2 = arith.muli %add3A, %mul3A_1 : i32
    "tpu.region"() ({
      %run_scoped3A = tpu.sem_alloc : memref<!tpu.dma_semaphore, #tpu.memory_space<semaphore_mem>>
      %dma_start3A_854 = tpu.memref_slice %arg3[%mul3A_2] : memref<32768xf32, #tpu.memory_space<hbm>> -> memref<1024xf32, #tpu.memory_space<hbm>>
      %dma_start3A_855 = tpu.memref_slice %arg3[%mul3A_2] : memref<32768xf32, #tpu.memory_space<hbm>> -> memref<1024xf32, #tpu.memory_space<hbm>>
      tpu.enqueue_dma source(%dma_start3A_855 : memref<1024xf32, #tpu.memory_space<hbm>>) target(%arg7 : memref<1024xf32, #tpu.memory_space<vmem>>) target_semaphore(%run_scoped3A : memref<!tpu.dma_semaphore, #tpu.memory_space<semaphore_mem>>)
      %dma_wait3A = tpu.memref_slice %arg3[%mul3A_2] : memref<32768xf32, #tpu.memory_space<hbm>> -> memref<1024xf32, #tpu.memory_space<hbm>>
      %dma_wait3A_856 = tpu.memref_slice %arg3[%mul3A_2] : memref<32768xf32, #tpu.memory_space<hbm>> -> memref<1024xf32, #tpu.memory_space<hbm>>
      tpu.wait_dma2 semaphore(%run_scoped3A : memref<!tpu.dma_semaphore, #tpu.memory_space<semaphore_mem>>) src(%dma_wait3A_856 : memref<1024xf32, #tpu.memory_space<hbm>>) dst(%arg7 : memref<1024xf32, #tpu.memory_space<vmem>>)
      tpu.yield
    }) : () -> ()
    "tpu.region"() ({
      %run_scoped3A = tpu.sem_alloc : memref<!tpu.dma_semaphore, #tpu.memory_space<semaphore_mem>>
      %dma_start3A_854 = tpu.memref_slice %arg4[%mul3A_2] : memref<32768xf32, #tpu.memory_space<hbm>> -> memref<1024xf32, #tpu.memory_space<hbm>>
      %dma_start3A_855 = tpu.memref_slice %arg4[%mul3A_2] : memref<32768xf32, #tpu.memory_space<hbm>> -> memref<1024xf32, #tpu.memory_space<hbm>>
      tpu.enqueue_dma source(%dma_start3A_855 : memref<1024xf32, #tpu.memory_space<hbm>>) target(%arg8 : memref<1024xf32, #tpu.memory_space<vmem>>) target_semaphore(%run_scoped3A : memref<!tpu.dma_semaphore, #tpu.memory_space<semaphore_mem>>)
      %dma_wait3A = tpu.memref_slice %arg4[%mul3A_2] : memref<32768xf32, #tpu.memory_space<hbm>> -> memref<1024xf32, #tpu.memory_space<hbm>>
      %dma_wait3A_856 = tpu.memref_slice %arg4[%mul3A_2] : memref<32768xf32, #tpu.memory_space<hbm>> -> memref<1024xf32, #tpu.memory_space<hbm>>
      tpu.wait_dma2 semaphore(%run_scoped3A : memref<!tpu.dma_semaphore, #tpu.memory_space<semaphore_mem>>) src(%dma_wait3A_856 : memref<1024xf32, #tpu.memory_space<hbm>>) dst(%arg8 : memref<1024xf32, #tpu.memory_space<vmem>>)
      tpu.yield
    }) : () -> ()
    "tpu.region"() ({
      %run_scoped3A = tpu.sem_alloc : memref<!tpu.dma_semaphore, #tpu.memory_space<semaphore_mem>>
      %dma_start3A_854 = tpu.memref_slice %arg5[%mul3A_2] : memref<32768xf32, #tpu.memory_space<hbm>> -> memref<1024xf32, #tpu.memory_space<hbm>>
      %dma_start3A_855 = tpu.memref_slice %arg5[%mul3A_2] : memref<32768xf32, #tpu.memory_space<hbm>> -> memref<1024xf32, #tpu.memory_space<hbm>>
      tpu.enqueue_dma source(%dma_start3A_855 : memref<1024xf32, #tpu.memory_space<hbm>>) target(%arg9 : memref<1024xf32, #tpu.memory_space<vmem>>) target_semaphore(%run_scoped3A : memref<!tpu.dma_semaphore, #tpu.memory_space<semaphore_mem>>)
      %dma_wait3A = tpu.memref_slice %arg5[%mul3A_2] : memref<32768xf32, #tpu.memory_space<hbm>> -> memref<1024xf32, #tpu.memory_space<hbm>>
      %dma_wait3A_856 = tpu.memref_slice %arg5[%mul3A_2] : memref<32768xf32, #tpu.memory_space<hbm>> -> memref<1024xf32, #tpu.memory_space<hbm>>
      tpu.wait_dma2 semaphore(%run_scoped3A : memref<!tpu.dma_semaphore, #tpu.memory_space<semaphore_mem>>) src(%dma_wait3A_856 : memref<1024xf32, #tpu.memory_space<hbm>>) dst(%arg9 : memref<1024xf32, #tpu.memory_space<vmem>>)
      tpu.yield
    }) : () -> ()
    %jit3A = arith.constant 16 : i32
    %div3A = arith.divsi %add3A, %jit3A : i32
    %sign3A = arith.constant 0 : i32
    %sign3A_3 = arith.cmpi sgt, %add3A, %sign3A : i32
    %sign3A_4 = arith.extui %sign3A_3 : i1 to i32
    %sign3A_5 = arith.constant 0 : i32
    %sign3A_6 = arith.cmpi slt, %add3A, %sign3A_5 : i32
    %sign3A_7 = arith.extui %sign3A_6 : i1 to i32
    %sign3A_8 = arith.subi %sign3A_4, %sign3A_7 : i32
    %sign3A_9 = arith.constant 0 : i32
    %sign3A_10 = arith.cmpi sgt, %jit3A, %sign3A_9 : i32
    %sign3A_11 = arith.extui %sign3A_10 : i1 to i32
    %sign3A_12 = arith.constant 0 : i32
    %sign3A_13 = arith.cmpi slt, %jit3A, %sign3A_12 : i32
    %sign3A_14 = arith.extui %sign3A_13 : i1 to i32
    %sign3A_15 = arith.subi %sign3A_11, %sign3A_14 : i32
    %ne3A = arith.cmpi ne, %sign3A_8, %sign3A_15 : i32
    %rem3A = arith.remsi %add3A, %jit3A : i32
    %ne3A_16 = arith.constant 0 : i32
    %ne3A_17 = arith.cmpi ne, %rem3A, %ne3A_16 : i32
    %and3A = arith.andi %ne3A, %ne3A_17 : i1
    %sub3A = arith.constant 1 : i32
    %sub3A_18 = arith.subi %div3A, %sub3A : i32
    %select_n3A = arith.select %and3A, %sub3A_18, %div3A : i32
    %mul3A_19 = arith.constant 32768 : i32
    %mul3A_20 = arith.muli %select_n3A, %mul3A_19 : i32
    %mul3A_21 = arith.constant 8192 : i32
    %mul3A_22 = arith.muli %add3A, %mul3A_21 : i32
    %iota3A = tpu.iota {dimensions = array<i32: 0>} : vector<16xi32>
    %scan3A = arith.constant 0 : i32
    %mul3A_23 = arith.constant 1 : i32
    %mul3A_24 = arith.muli %scan3A, %mul3A_23 : i32
    %add3A_25 = arith.constant 0 : i32
    %add3A_26 = arith.addi %add3A_25, %mul3A_24 : i32
    %mul3A_27 = arith.constant 16 : i32
    %mul3A_28 = arith.muli %add3A_26, %mul3A_27 : i32
    %add3A_29 = arith.constant 0 : i32
    %add3A_30 = arith.addi %add3A_29, %mul3A_28 : i32
    %get3A = arith.index_cast %add3A_30 : i32 to index
    %get3A_31 = tpu.vector_load %arg7[%get3A] {strides = array<i32>} : memref<1024xf32, #tpu.memory_space<vmem>>, vector<16xf32>,
    %add3A_32 = arith.constant 1.000000e+00 : f32
    %add3A_33 = vector.broadcast %add3A_32 : f32 to vector<16xf32>
    %add3A_34 = arith.addf %get3A_31, %add3A_33 : vector<16xf32>
    %mul3A_35 = arith.constant 1.550000e+01 : f32
    %mul3A_36 = vector.broadcast %mul3A_35 : f32 to vector<16xf32>
    %mul3A_37 = arith.mulf %add3A_34, %mul3A_36 : vector<16xf32>
    %convert_element_type3A = arith.fptosi %mul3A_37 : vector<16xf32> to vector<16xi32>
    %get3A_38 = arith.index_cast %add3A_30 : i32 to index
    %get3A_39 = tpu.vector_load %arg8[%get3A_38] {strides = array<i32>} : memref<1024xf32, #tpu.memory_space<vmem>>, vector<16xf32>,
    %add3A_40 = arith.constant 1.000000e+00 : f32
    %add3A_41 = vector.broadcast %add3A_40 : f32 to vector<16xf32>
    %add3A_42 = arith.addf %get3A_39, %add3A_41 : vector<16xf32>
    %mul3A_43 = arith.constant 1.550000e+01 : f32
    %mul3A_44 = vector.broadcast %mul3A_43 : f32 to vector<16xf32>
    %mul3A_45 = arith.mulf %add3A_42, %mul3A_44 : vector<16xf32>
    %convert_element_type3A_46 = arith.fptosi %mul3A_45 : vector<16xf32> to vector<16xi32>
    %get3A_47 = arith.index_cast %add3A_30 : i32 to index
    %get3A_48 = tpu.vector_load %arg9[%get3A_47] {strides = array<i32>} : memref<1024xf32, #tpu.memory_space<vmem>>, vector<16xf32>,
    %add3A_49 = arith.constant 1.000000e+00 : f32
    %add3A_50 = vector.broadcast %add3A_49 : f32 to vector<16xf32>
    %add3A_51 = arith.addf %get3A_48, %add3A_50 : vector<16xf32>
    %mul3A_52 = arith.constant 1.550000e+01 : f32
    %mul3A_53 = vector.broadcast %mul3A_52 : f32 to vector<16xf32>
    %mul3A_54 = arith.mulf %add3A_51, %mul3A_53 : vector<16xf32>
    %convert_element_type3A_55 = arith.fptosi %mul3A_54 : vector<16xf32> to vector<16xi32>
    %add3A_56 = arith.constant 0 : i32
    %add3A_57 = vector.broadcast %add3A_56 : i32 to vector<16xi32>
    %add3A_58 = arith.addi %convert_element_type3A, %add3A_57 : vector<16xi32>
    %jit3A_59 = arith.constant 0 : i32
    %jit3A_60 = arith.constant 31 : i32
    %max3A = vector.broadcast %jit3A_59 : i32 to vector<16xi32>
    %max3A_61 = arith.maxsi %max3A, %add3A_58 : vector<16xi32>
    %min3A = vector.broadcast %jit3A_60 : i32 to vector<16xi32>
    %min3A_62 = arith.minsi %min3A, %max3A_61 : vector<16xi32>
    %add3A_63 = arith.constant 0 : i32
    %add3A_64 = vector.broadcast %add3A_63 : i32 to vector<16xi32>
    %add3A_65 = arith.addi %convert_element_type3A_46, %add3A_64 : vector<16xi32>
    %jit3A_66 = arith.constant 0 : i32
    %jit3A_67 = arith.constant 31 : i32
    %max3A_68 = vector.broadcast %jit3A_66 : i32 to vector<16xi32>
    %max3A_69 = arith.maxsi %max3A_68, %add3A_65 : vector<16xi32>
    %min3A_70 = vector.broadcast %jit3A_67 : i32 to vector<16xi32>
    %min3A_71 = arith.minsi %min3A_70, %max3A_69 : vector<16xi32>
    %add3A_72 = arith.constant 0 : i32
    %add3A_73 = vector.broadcast %add3A_72 : i32 to vector<16xi32>
    %add3A_74 = arith.addi %convert_element_type3A_55, %add3A_73 : vector<16xi32>
    %jit3A_75 = arith.constant 0 : i32
    %jit3A_76 = arith.constant 31 : i32
    %max3A_77 = vector.broadcast %jit3A_75 : i32 to vector<16xi32>
    %max3A_78 = arith.maxsi %max3A_77, %add3A_74 : vector<16xi32>
    %min3A_79 = vector.broadcast %jit3A_76 : i32 to vector<16xi32>
    %min3A_80 = arith.minsi %min3A_79, %max3A_78 : vector<16xi32>
    %mul3A_81 = arith.constant 1024 : i32
    %mul3A_82 = vector.broadcast %mul3A_81 : i32 to vector<16xi32>
    %mul3A_83 = arith.muli %min3A_62, %mul3A_82 : vector<16xi32>
    %mul3A_84 = arith.constant 32 : i32
    %mul3A_85 = vector.broadcast %mul3A_84 : i32 to vector<16xi32>
    %mul3A_86 = arith.muli %min3A_71, %mul3A_85 : vector<16xi32>
    %add3A_87 = arith.addi %mul3A_83, %mul3A_86 : vector<16xi32>
    %add3A_88 = arith.addi %add3A_87, %min3A_80 : vector<16xi32>
    %add3A_89 = vector.broadcast %mul3A_20 : i32 to vector<16xi32>
    %add3A_90 = arith.addi %add3A_88, %add3A_89 : vector<16xi32>
    %mul3A_91 = arith.constant 16 : i32
    %mul3A_92 = arith.muli %add3A_26, %mul3A_91 : i32
    %add3A_93 = vector.broadcast %mul3A_92 : i32 to vector<16xi32>
    %add3A_94 = arith.addi %iota3A, %add3A_93 : vector<16xi32>
    %mul3A_95 = arith.constant 8 : i32
    %mul3A_96 = vector.broadcast %mul3A_95 : i32 to vector<16xi32>
    %mul3A_97 = arith.muli %add3A_94, %mul3A_96 : vector<16xi32>
    %add3A_98 = arith.constant 0 : i32
    %add3A_99 = vector.broadcast %add3A_98 : i32 to vector<16xi32>
    %add3A_100 = arith.addi %mul3A_97, %add3A_99 : vector<16xi32>
    tpu.vector_store_idx %arg10[%add3A_100], %add3A_90 : memref<128xi32, #tpu.memory_space<vmem>>[vector<16xi32>], vector<16xi32>,
    %add3A_101 = arith.constant 0 : i32
    %add3A_102 = vector.broadcast %add3A_101 : i32 to vector<16xi32>
    %add3A_103 = arith.addi %convert_element_type3A, %add3A_102 : vector<16xi32>
    %jit3A_104 = arith.constant 0 : i32
    %jit3A_105 = arith.constant 31 : i32
    %max3A_106 = vector.broadcast %jit3A_104 : i32 to vector<16xi32>
    %max3A_107 = arith.maxsi %max3A_106, %add3A_103 : vector<16xi32>
    %min3A_108 = vector.broadcast %jit3A_105 : i32 to vector<16xi32>
    %min3A_109 = arith.minsi %min3A_108, %max3A_107 : vector<16xi32>
    %add3A_110 = arith.constant 0 : i32
    %add3A_111 = vector.broadcast %add3A_110 : i32 to vector<16xi32>
    %add3A_112 = arith.addi %convert_element_type3A_46, %add3A_111 : vector<16xi32>
    %jit3A_113 = arith.constant 0 : i32
    %jit3A_114 = arith.constant 31 : i32
    %max3A_115 = vector.broadcast %jit3A_113 : i32 to vector<16xi32>
    %max3A_116 = arith.maxsi %max3A_115, %add3A_112 : vector<16xi32>
    %min3A_117 = vector.broadcast %jit3A_114 : i32 to vector<16xi32>
    %min3A_118 = arith.minsi %min3A_117, %max3A_116 : vector<16xi32>
    %add3A_119 = arith.constant 1 : i32
    %add3A_120 = vector.broadcast %add3A_119 : i32 to vector<16xi32>
    %add3A_121 = arith.addi %convert_element_type3A_55, %add3A_120 : vector<16xi32>
    %jit3A_122 = arith.constant 0 : i32
    %jit3A_123 = arith.constant 31 : i32
    %max3A_124 = vector.broadcast %jit3A_122 : i32 to vector<16xi32>
    %max3A_125 = arith.maxsi %max3A_124, %add3A_121 : vector<16xi32>
    %min3A_126 = vector.broadcast %jit3A_123 : i32 to vector<16xi32>
    %min3A_127 = arith.minsi %min3A_126, %max3A_125 : vector<16xi32>
    %mul3A_128 = arith.constant 1024 : i32
    %mul3A_129 = vector.broadcast %mul3A_128 : i32 to vector<16xi32>
    %mul3A_130 = arith.muli %min3A_109, %mul3A_129 : vector<16xi32>
    %mul3A_131 = arith.constant 32 : i32
    %mul3A_132 = vector.broadcast %mul3A_131 : i32 to vector<16xi32>
    %mul3A_133 = arith.muli %min3A_118, %mul3A_132 : vector<16xi32>
    %add3A_134 = arith.addi %mul3A_130, %mul3A_133 : vector<16xi32>
    %add3A_135 = arith.addi %add3A_134, %min3A_127 : vector<16xi32>
    %add3A_136 = vector.broadcast %mul3A_20 : i32 to vector<16xi32>
    %add3A_137 = arith.addi %add3A_135, %add3A_136 : vector<16xi32>
    %mul3A_138 = arith.constant 16 : i32
    %mul3A_139 = arith.muli %add3A_26, %mul3A_138 : i32
    %add3A_140 = vector.broadcast %mul3A_139 : i32 to vector<16xi32>
    %add3A_141 = arith.addi %iota3A, %add3A_140 : vector<16xi32>
    %mul3A_142 = arith.constant 8 : i32
    %mul3A_143 = vector.broadcast %mul3A_142 : i32 to vector<16xi32>
    %mul3A_144 = arith.muli %add3A_141, %mul3A_143 : vector<16xi32>
    %add3A_145 = arith.constant 1 : i32
    %add3A_146 = vector.broadcast %add3A_145 : i32 to vector<16xi32>
    %add3A_147 = arith.addi %mul3A_144, %add3A_146 : vector<16xi32>
    tpu.vector_store_idx %arg10[%add3A_147], %add3A_137 : memref<128xi32, #tpu.memory_space<vmem>>[vector<16xi32>], vector<16xi32>,
    %add3A_148 = arith.constant 0 : i32
    %add3A_149 = vector.broadcast %add3A_148 : i32 to vector<16xi32>
    %add3A_150 = arith.addi %convert_element_type3A, %add3A_149 : vector<16xi32>
    %jit3A_151 = arith.constant 0 : i32
    %jit3A_152 = arith.constant 31 : i32
    %max3A_153 = vector.broadcast %jit3A_151 : i32 to vector<16xi32>
    %max3A_154 = arith.maxsi %max3A_153, %add3A_150 : vector<16xi32>
    %min3A_155 = vector.broadcast %jit3A_152 : i32 to vector<16xi32>
    %min3A_156 = arith.minsi %min3A_155, %max3A_154 : vector<16xi32>
    %add3A_157 = arith.constant 1 : i32
    %add3A_158 = vector.broadcast %add3A_157 : i32 to vector<16xi32>
    %add3A_159 = arith.addi %convert_element_type3A_46, %add3A_158 : vector<16xi32>
    %jit3A_160 = arith.constant 0 : i32
    %jit3A_161 = arith.constant 31 : i32
    %max3A_162 = vector.broadcast %jit3A_160 : i32 to vector<16xi32>
    %max3A_163 = arith.maxsi %max3A_162, %add3A_159 : vector<16xi32>
    %min3A_164 = vector.broadcast %jit3A_161 : i32 to vector<16xi32>
    %min3A_165 = arith.minsi %min3A_164, %max3A_163 : vector<16xi32>
    %add3A_166 = arith.constant 0 : i32
    %add3A_167 = vector.broadcast %add3A_166 : i32 to vector<16xi32>
    %add3A_168 = arith.addi %convert_element_type3A_55, %add3A_167 : vector<16xi32>
    %jit3A_169 = arith.constant 0 : i32
    %jit3A_170 = arith.constant 31 : i32
    %max3A_171 = vector.broadcast %jit3A_169 : i32 to vector<16xi32>
    %max3A_172 = arith.maxsi %max3A_171, %add3A_168 : vector<16xi32>
    %min3A_173 = vector.broadcast %jit3A_170 : i32 to vector<16xi32>
    %min3A_174 = arith.minsi %min3A_173, %max3A_172 : vector<16xi32>
    %mul3A_175 = arith.constant 1024 : i32
    %mul3A_176 = vector.broadcast %mul3A_175 : i32 to vector<16xi32>
    %mul3A_177 = arith.muli %min3A_156, %mul3A_176 : vector<16xi32>
    %mul3A_178 = arith.constant 32 : i32
    %mul3A_179 = vector.broadcast %mul3A_178 : i32 to vector<16xi32>
    %mul3A_180 = arith.muli %min3A_165, %mul3A_179 : vector<16xi32>
    %add3A_181 = arith.addi %mul3A_177, %mul3A_180 : vector<16xi32>
    %add3A_182 = arith.addi %add3A_181, %min3A_174 : vector<16xi32>
    %add3A_183 = vector.broadcast %mul3A_20 : i32 to vector<16xi32>
    %add3A_184 = arith.addi %add3A_182, %add3A_183 : vector<16xi32>
    %mul3A_185 = arith.constant 16 : i32
    %mul3A_186 = arith.muli %add3A_26, %mul3A_185 : i32
    %add3A_187 = vector.broadcast %mul3A_186 : i32 to vector<16xi32>
    %add3A_188 = arith.addi %iota3A, %add3A_187 : vector<16xi32>
    %mul3A_189 = arith.constant 8 : i32
    %mul3A_190 = vector.broadcast %mul3A_189 : i32 to vector<16xi32>
    %mul3A_191 = arith.muli %add3A_188, %mul3A_190 : vector<16xi32>
    %add3A_192 = arith.constant 2 : i32
    %add3A_193 = vector.broadcast %add3A_192 : i32 to vector<16xi32>
    %add3A_194 = arith.addi %mul3A_191, %add3A_193 : vector<16xi32>
    tpu.vector_store_idx %arg10[%add3A_194], %add3A_184 : memref<128xi32, #tpu.memory_space<vmem>>[vector<16xi32>], vector<16xi32>,
    %add3A_195 = arith.constant 0 : i32
    %add3A_196 = vector.broadcast %add3A_195 : i32 to vector<16xi32>
    %add3A_197 = arith.addi %convert_element_type3A, %add3A_196 : vector<16xi32>
    %jit3A_198 = arith.constant 0 : i32
    %jit3A_199 = arith.constant 31 : i32
    %max3A_200 = vector.broadcast %jit3A_198 : i32 to vector<16xi32>
    %max3A_201 = arith.maxsi %max3A_200, %add3A_197 : vector<16xi32>
    %min3A_202 = vector.broadcast %jit3A_199 : i32 to vector<16xi32>
    %min3A_203 = arith.minsi %min3A_202, %max3A_201 : vector<16xi32>
    %add3A_204 = arith.constant 1 : i32
    %add3A_205 = vector.broadcast %add3A_204 : i32 to vector<16xi32>
    %add3A_206 = arith.addi %convert_element_type3A_46, %add3A_205 : vector<16xi32>
    %jit3A_207 = arith.constant 0 : i32
    %jit3A_208 = arith.constant 31 : i32
    %max3A_209 = vector.broadcast %jit3A_207 : i32 to vector<16xi32>
    %max3A_210 = arith.maxsi %max3A_209, %add3A_206 : vector<16xi32>
    %min3A_211 = vector.broadcast %jit3A_208 : i32 to vector<16xi32>
    %min3A_212 = arith.minsi %min3A_211, %max3A_210 : vector<16xi32>
    %add3A_213 = arith.constant 1 : i32
    %add3A_214 = vector.broadcast %add3A_213 : i32 to vector<16xi32>
    %add3A_215 = arith.addi %convert_element_type3A_55, %add3A_214 : vector<16xi32>
    %jit3A_216 = arith.constant 0 : i32
    %jit3A_217 = arith.constant 31 : i32
    %max3A_218 = vector.broadcast %jit3A_216 : i32 to vector<16xi32>
    %max3A_219 = arith.maxsi %max3A_218, %add3A_215 : vector<16xi32>
    %min3A_220 = vector.broadcast %jit3A_217 : i32 to vector<16xi32>
    %min3A_221 = arith.minsi %min3A_220, %max3A_219 : vector<16xi32>
    %mul3A_222 = arith.constant 1024 : i32
    %mul3A_223 = vector.broadcast %mul3A_222 : i32 to vector<16xi32>
    %mul3A_224 = arith.muli %min3A_203, %mul3A_223 : vector<16xi32>
    %mul3A_225 = arith.constant 32 : i32
    %mul3A_226 = vector.broadcast %mul3A_225 : i32 to vector<16xi32>
    %mul3A_227 = arith.muli %min3A_212, %mul3A_226 : vector<16xi32>
    %add3A_228 = arith.addi %mul3A_224, %mul3A_227 : vector<16xi32>
    %add3A_229 = arith.addi %add3A_228, %min3A_221 : vector<16xi32>
    %add3A_230 = vector.broadcast %mul3A_20 : i32 to vector<16xi32>
    %add3A_231 = arith.addi %add3A_229, %add3A_230 : vector<16xi32>
    %mul3A_232 = arith.constant 16 : i32
    %mul3A_233 = arith.muli %add3A_26, %mul3A_232 : i32
    %add3A_234 = vector.broadcast %mul3A_233 : i32 to vector<16xi32>
    %add3A_235 = arith.addi %iota3A, %add3A_234 : vector<16xi32>
    %mul3A_236 = arith.constant 8 : i32
    %mul3A_237 = vector.broadcast %mul3A_236 : i32 to vector<16xi32>
    %mul3A_238 = arith.muli %add3A_235, %mul3A_237 : vector<16xi32>
    %add3A_239 = arith.constant 3 : i32
    %add3A_240 = vector.broadcast %add3A_239 : i32 to vector<16xi32>
    %add3A_241 = arith.addi %mul3A_238, %add3A_240 : vector<16xi32>
    tpu.vector_store_idx %arg10[%add3A_241], %add3A_231 : memref<128xi32, #tpu.memory_space<vmem>>[vector<16xi32>], vector<16xi32>,
    %add3A_242 = arith.constant 1 : i32
    %add3A_243 = vector.broadcast %add3A_242 : i32 to vector<16xi32>
    %add3A_244 = arith.addi %convert_element_type3A, %add3A_243 : vector<16xi32>
    %jit3A_245 = arith.constant 0 : i32
    %jit3A_246 = arith.constant 31 : i32
    %max3A_247 = vector.broadcast %jit3A_245 : i32 to vector<16xi32>
    %max3A_248 = arith.maxsi %max3A_247, %add3A_244 : vector<16xi32>
    %min3A_249 = vector.broadcast %jit3A_246 : i32 to vector<16xi32>
    %min3A_250 = arith.minsi %min3A_249, %max3A_248 : vector<16xi32>
    %add3A_251 = arith.constant 0 : i32
    %add3A_252 = vector.broadcast %add3A_251 : i32 to vector<16xi32>
    %add3A_253 = arith.addi %convert_element_type3A_46, %add3A_252 : vector<16xi32>
    %jit3A_254 = arith.constant 0 : i32
    %jit3A_255 = arith.constant 31 : i32
    %max3A_256 = vector.broadcast %jit3A_254 : i32 to vector<16xi32>
    %max3A_257 = arith.maxsi %max3A_256, %add3A_253 : vector<16xi32>
    %min3A_258 = vector.broadcast %jit3A_255 : i32 to vector<16xi32>
    %min3A_259 = arith.minsi %min3A_258, %max3A_257 : vector<16xi32>
    %add3A_260 = arith.constant 0 : i32
    %add3A_261 = vector.broadcast %add3A_260 : i32 to vector<16xi32>
    %add3A_262 = arith.addi %convert_element_type3A_55, %add3A_261 : vector<16xi32>
    %jit3A_263 = arith.constant 0 : i32
    %jit3A_264 = arith.constant 31 : i32
    %max3A_265 = vector.broadcast %jit3A_263 : i32 to vector<16xi32>
    %max3A_266 = arith.maxsi %max3A_265, %add3A_262 : vector<16xi32>
    %min3A_267 = vector.broadcast %jit3A_264 : i32 to vector<16xi32>
    %min3A_268 = arith.minsi %min3A_267, %max3A_266 : vector<16xi32>
    %mul3A_269 = arith.constant 1024 : i32
    %mul3A_270 = vector.broadcast %mul3A_269 : i32 to vector<16xi32>
    %mul3A_271 = arith.muli %min3A_250, %mul3A_270 : vector<16xi32>
    %mul3A_272 = arith.constant 32 : i32
    %mul3A_273 = vector.broadcast %mul3A_272 : i32 to vector<16xi32>
    %mul3A_274 = arith.muli %min3A_259, %mul3A_273 : vector<16xi32>
    %add3A_275 = arith.addi %mul3A_271, %mul3A_274 : vector<16xi32>
    %add3A_276 = arith.addi %add3A_275, %min3A_268 : vector<16xi32>
    %add3A_277 = vector.broadcast %mul3A_20 : i32 to vector<16xi32>
    %add3A_278 = arith.addi %add3A_276, %add3A_277 : vector<16xi32>
    %mul3A_279 = arith.constant 16 : i32
    %mul3A_280 = arith.muli %add3A_26, %mul3A_279 : i32
    %add3A_281 = vector.broadcast %mul3A_280 : i32 to vector<16xi32>
    %add3A_282 = arith.addi %iota3A, %add3A_281 : vector<16xi32>
    %mul3A_283 = arith.constant 8 : i32
    %mul3A_284 = vector.broadcast %mul3A_283 : i32 to vector<16xi32>
    %mul3A_285 = arith.muli %add3A_282, %mul3A_284 : vector<16xi32>
    %add3A_286 = arith.constant 4 : i32
    %add3A_287 = vector.broadcast %add3A_286 : i32 to vector<16xi32>
    %add3A_288 = arith.addi %mul3A_285, %add3A_287 : vector<16xi32>
    tpu.vector_store_idx %arg10[%add3A_288], %add3A_278 : memref<128xi32, #tpu.memory_space<vmem>>[vector<16xi32>], vector<16xi32>,
    %add3A_289 = arith.constant 1 : i32
    %add3A_290 = vector.broadcast %add3A_289 : i32 to vector<16xi32>
    %add3A_291 = arith.addi %convert_element_type3A, %add3A_290 : vector<16xi32>
    %jit3A_292 = arith.constant 0 : i32
    %jit3A_293 = arith.constant 31 : i32
    %max3A_294 = vector.broadcast %jit3A_292 : i32 to vector<16xi32>
    %max3A_295 = arith.maxsi %max3A_294, %add3A_291 : vector<16xi32>
    %min3A_296 = vector.broadcast %jit3A_293 : i32 to vector<16xi32>
    %min3A_297 = arith.minsi %min3A_296, %max3A_295 : vector<16xi32>
    %add3A_298 = arith.constant 0 : i32
    %add3A_299 = vector.broadcast %add3A_298 : i32 to vector<16xi32>
    %add3A_300 = arith.addi %convert_element_type3A_46, %add3A_299 : vector<16xi32>
    %jit3A_301 = arith.constant 0 : i32
    %jit3A_302 = arith.constant 31 : i32
    %max3A_303 = vector.broadcast %jit3A_301 : i32 to vector<16xi32>
    %max3A_304 = arith.maxsi %max3A_303, %add3A_300 : vector<16xi32>
    %min3A_305 = vector.broadcast %jit3A_302 : i32 to vector<16xi32>
    %min3A_306 = arith.minsi %min3A_305, %max3A_304 : vector<16xi32>
    %add3A_307 = arith.constant 1 : i32
    %add3A_308 = vector.broadcast %add3A_307 : i32 to vector<16xi32>
    %add3A_309 = arith.addi %convert_element_type3A_55, %add3A_308 : vector<16xi32>
    %jit3A_310 = arith.constant 0 : i32
    %jit3A_311 = arith.constant 31 : i32
    %max3A_312 = vector.broadcast %jit3A_310 : i32 to vector<16xi32>
    %max3A_313 = arith.maxsi %max3A_312, %add3A_309 : vector<16xi32>
    %min3A_314 = vector.broadcast %jit3A_311 : i32 to vector<16xi32>
    %min3A_315 = arith.minsi %min3A_314, %max3A_313 : vector<16xi32>
    %mul3A_316 = arith.constant 1024 : i32
    %mul3A_317 = vector.broadcast %mul3A_316 : i32 to vector<16xi32>
    %mul3A_318 = arith.muli %min3A_297, %mul3A_317 : vector<16xi32>
    %mul3A_319 = arith.constant 32 : i32
    %mul3A_320 = vector.broadcast %mul3A_319 : i32 to vector<16xi32>
    %mul3A_321 = arith.muli %min3A_306, %mul3A_320 : vector<16xi32>
    %add3A_322 = arith.addi %mul3A_318, %mul3A_321 : vector<16xi32>
    %add3A_323 = arith.addi %add3A_322, %min3A_315 : vector<16xi32>
    %add3A_324 = vector.broadcast %mul3A_20 : i32 to vector<16xi32>
    %add3A_325 = arith.addi %add3A_323, %add3A_324 : vector<16xi32>
    %mul3A_326 = arith.constant 16 : i32
    %mul3A_327 = arith.muli %add3A_26, %mul3A_326 : i32
    %add3A_328 = vector.broadcast %mul3A_327 : i32 to vector<16xi32>
    %add3A_329 = arith.addi %iota3A, %add3A_328 : vector<16xi32>
    %mul3A_330 = arith.constant 8 : i32
    %mul3A_331 = vector.broadcast %mul3A_330 : i32 to vector<16xi32>
    %mul3A_332 = arith.muli %add3A_329, %mul3A_331 : vector<16xi32>
    %add3A_333 = arith.constant 5 : i32
    %add3A_334 = vector.broadcast %add3A_333 : i32 to vector<16xi32>
    %add3A_335 = arith.addi %mul3A_332, %add3A_334 : vector<16xi32>
    tpu.vector_store_idx %arg10[%add3A_335], %add3A_325 : memref<128xi32, #tpu.memory_space<vmem>>[vector<16xi32>], vector<16xi32>,
    %add3A_336 = arith.constant 1 : i32
    %add3A_337 = vector.broadcast %add3A_336 : i32 to vector<16xi32>
    %add3A_338 = arith.addi %convert_element_type3A, %add3A_337 : vector<16xi32>
    %jit3A_339 = arith.constant 0 : i32
    %jit3A_340 = arith.constant 31 : i32
    %max3A_341 = vector.broadcast %jit3A_339 : i32 to vector<16xi32>
    %max3A_342 = arith.maxsi %max3A_341, %add3A_338 : vector<16xi32>
    %min3A_343 = vector.broadcast %jit3A_340 : i32 to vector<16xi32>
    %min3A_344 = arith.minsi %min3A_343, %max3A_342 : vector<16xi32>
    %add3A_345 = arith.constant 1 : i32
    %add3A_346 = vector.broadcast %add3A_345 : i32 to vector<16xi32>
    %add3A_347 = arith.addi %convert_element_type3A_46, %add3A_346 : vector<16xi32>
    %jit3A_348 = arith.constant 0 : i32
    %jit3A_349 = arith.constant 31 : i32
    %max3A_350 = vector.broadcast %jit3A_348 : i32 to vector<16xi32>
    %max3A_351 = arith.maxsi %max3A_350, %add3A_347 : vector<16xi32>
    %min3A_352 = vector.broadcast %jit3A_349 : i32 to vector<16xi32>
    %min3A_353 = arith.minsi %min3A_352, %max3A_351 : vector<16xi32>
    %add3A_354 = arith.constant 0 : i32
    %add3A_355 = vector.broadcast %add3A_354 : i32 to vector<16xi32>
    %add3A_356 = arith.addi %convert_element_type3A_55, %add3A_355 : vector<16xi32>
    %jit3A_357 = arith.constant 0 : i32
    %jit3A_358 = arith.constant 31 : i32
    %max3A_359 = vector.broadcast %jit3A_357 : i32 to vector<16xi32>
    %max3A_360 = arith.maxsi %max3A_359, %add3A_356 : vector<16xi32>
    %min3A_361 = vector.broadcast %jit3A_358 : i32 to vector<16xi32>
    %min3A_362 = arith.minsi %min3A_361, %max3A_360 : vector<16xi32>
    %mul3A_363 = arith.constant 1024 : i32
    %mul3A_364 = vector.broadcast %mul3A_363 : i32 to vector<16xi32>
    %mul3A_365 = arith.muli %min3A_344, %mul3A_364 : vector<16xi32>
    %mul3A_366 = arith.constant 32 : i32
    %mul3A_367 = vector.broadcast %mul3A_366 : i32 to vector<16xi32>
    %mul3A_368 = arith.muli %min3A_353, %mul3A_367 : vector<16xi32>
    %add3A_369 = arith.addi %mul3A_365, %mul3A_368 : vector<16xi32>
    %add3A_370 = arith.addi %add3A_369, %min3A_362 : vector<16xi32>
    %add3A_371 = vector.broadcast %mul3A_20 : i32 to vector<16xi32>
    %add3A_372 = arith.addi %add3A_370, %add3A_371 : vector<16xi32>
    %mul3A_373 = arith.constant 16 : i32
    %mul3A_374 = arith.muli %add3A_26, %mul3A_373 : i32
    %add3A_375 = vector.broadcast %mul3A_374 : i32 to vector<16xi32>
    %add3A_376 = arith.addi %iota3A, %add3A_375 : vector<16xi32>
    %mul3A_377 = arith.constant 8 : i32
    %mul3A_378 = vector.broadcast %mul3A_377 : i32 to vector<16xi32>
    %mul3A_379 = arith.muli %add3A_376, %mul3A_378 : vector<16xi32>
    %add3A_380 = arith.constant 6 : i32
    %add3A_381 = vector.broadcast %add3A_380 : i32 to vector<16xi32>
    %add3A_382 = arith.addi %mul3A_379, %add3A_381 : vector<16xi32>
    tpu.vector_store_idx %arg10[%add3A_382], %add3A_372 : memref<128xi32, #tpu.memory_space<vmem>>[vector<16xi32>], vector<16xi32>,
    %add3A_383 = arith.constant 1 : i32
    %add3A_384 = vector.broadcast %add3A_383 : i32 to vector<16xi32>
    %add3A_385 = arith.addi %convert_element_type3A, %add3A_384 : vector<16xi32>
    %jit3A_386 = arith.constant 0 : i32
    %jit3A_387 = arith.constant 31 : i32
    %max3A_388 = vector.broadcast %jit3A_386 : i32 to vector<16xi32>
    %max3A_389 = arith.maxsi %max3A_388, %add3A_385 : vector<16xi32>
    %min3A_390 = vector.broadcast %jit3A_387 : i32 to vector<16xi32>
    %min3A_391 = arith.minsi %min3A_390, %max3A_389 : vector<16xi32>
    %add3A_392 = arith.constant 1 : i32
    %add3A_393 = vector.broadcast %add3A_392 : i32 to vector<16xi32>
    %add3A_394 = arith.addi %convert_element_type3A_46, %add3A_393 : vector<16xi32>
    %jit3A_395 = arith.constant 0 : i32
    %jit3A_396 = arith.constant 31 : i32
    %max3A_397 = vector.broadcast %jit3A_395 : i32 to vector<16xi32>
    %max3A_398 = arith.maxsi %max3A_397, %add3A_394 : vector<16xi32>
    %min3A_399 = vector.broadcast %jit3A_396 : i32 to vector<16xi32>
    %min3A_400 = arith.minsi %min3A_399, %max3A_398 : vector<16xi32>
    %add3A_401 = arith.constant 1 : i32
    %add3A_402 = vector.broadcast %add3A_401 : i32 to vector<16xi32>
    %add3A_403 = arith.addi %convert_element_type3A_55, %add3A_402 : vector<16xi32>
    %jit3A_404 = arith.constant 0 : i32
    %jit3A_405 = arith.constant 31 : i32
    %max3A_406 = vector.broadcast %jit3A_404 : i32 to vector<16xi32>
    %max3A_407 = arith.maxsi %max3A_406, %add3A_403 : vector<16xi32>
    %min3A_408 = vector.broadcast %jit3A_405 : i32 to vector<16xi32>
    %min3A_409 = arith.minsi %min3A_408, %max3A_407 : vector<16xi32>
    %mul3A_410 = arith.constant 1024 : i32
    %mul3A_411 = vector.broadcast %mul3A_410 : i32 to vector<16xi32>
    %mul3A_412 = arith.muli %min3A_391, %mul3A_411 : vector<16xi32>
    %mul3A_413 = arith.constant 32 : i32
    %mul3A_414 = vector.broadcast %mul3A_413 : i32 to vector<16xi32>
    %mul3A_415 = arith.muli %min3A_400, %mul3A_414 : vector<16xi32>
    %add3A_416 = arith.addi %mul3A_412, %mul3A_415 : vector<16xi32>
    %add3A_417 = arith.addi %add3A_416, %min3A_409 : vector<16xi32>
    %add3A_418 = vector.broadcast %mul3A_20 : i32 to vector<16xi32>
    %add3A_419 = arith.addi %add3A_417, %add3A_418 : vector<16xi32>
    %mul3A_420 = arith.constant 16 : i32
    %mul3A_421 = arith.muli %add3A_26, %mul3A_420 : i32
    %add3A_422 = vector.broadcast %mul3A_421 : i32 to vector<16xi32>
    %add3A_423 = arith.addi %iota3A, %add3A_422 : vector<16xi32>
    %mul3A_424 = arith.constant 8 : i32
    %mul3A_425 = vector.broadcast %mul3A_424 : i32 to vector<16xi32>
    %mul3A_426 = arith.muli %add3A_423, %mul3A_425 : vector<16xi32>
    %add3A_427 = arith.constant 7 : i32
    %add3A_428 = vector.broadcast %add3A_427 : i32 to vector<16xi32>
    %add3A_429 = arith.addi %mul3A_426, %add3A_428 : vector<16xi32>
    tpu.vector_store_idx %arg10[%add3A_429], %add3A_419 : memref<128xi32, #tpu.memory_space<vmem>>[vector<16xi32>], vector<16xi32>,
    %scan3A_430 = arith.constant 1 : i32
    %dma_start3A = arith.constant 0 : i32
    %dma_start3A_431 = arith.constant 0 : i32
    %dma_start3A_432 = tpu.memref_slice %arg2[%dma_start3A, %dma_start3A_431] : memref<65536x256xf32, #tpu.memory_space<hbm>> -> memref<65536x256xf32, #tpu.memory_space<hbm>>
    tpu.enqueue_indirect_dma source(%dma_start3A_432 : memref<65536x256xf32, #tpu.memory_space<hbm>>) target(%arg12 : memref<128x256xf32, #tpu.memory_space<vmem>>) offsets(%arg10 : memref<128xi32, #tpu.memory_space<vmem>>) semaphore(%arg14 : memref<!tpu.dma_semaphore, #tpu.memory_space<semaphore_mem>>)
    %scan3A_433 = arith.constant 0 : i32
    %mul3A_434 = arith.constant 1 : i32
    %mul3A_435 = arith.muli %scan3A_433, %mul3A_434 : i32
    %add3A_436 = arith.constant 0 : i32
    %add3A_437 = arith.addi %add3A_436, %mul3A_435 : i32
    %mul3A_438 = arith.constant 16 : i32
    %mul3A_439 = arith.muli %add3A_437, %mul3A_438 : i32
    %add3A_440 = arith.constant 16 : i32
    %add3A_441 = arith.addi %add3A_440, %mul3A_439 : i32
    %get3A_442 = arith.index_cast %add3A_441 : i32 to index
    %get3A_443 = tpu.vector_load %arg7[%get3A_442] {strides = array<i32>} : memref<1024xf32, #tpu.memory_space<vmem>>, vector<16xf32>,
    %add3A_444 = arith.constant 1.000000e+00 : f32
    %add3A_445 = vector.broadcast %add3A_444 : f32 to vector<16xf32>
    %add3A_446 = arith.addf %get3A_443, %add3A_445 : vector<16xf32>
    %mul3A_447 = arith.constant 1.550000e+01 : f32
    %mul3A_448 = vector.broadcast %mul3A_447 : f32 to vector<16xf32>
    %mul3A_449 = arith.mulf %add3A_446, %mul3A_448 : vector<16xf32>
    %convert_element_type3A_450 = arith.fptosi %mul3A_449 : vector<16xf32> to vector<16xi32>
    %get3A_451 = arith.index_cast %add3A_441 : i32 to index
    %get3A_452 = tpu.vector_load %arg8[%get3A_451] {strides = array<i32>} : memref<1024xf32, #tpu.memory_space<vmem>>, vector<16xf32>,
    %add3A_453 = arith.constant 1.000000e+00 : f32
    %add3A_454 = vector.broadcast %add3A_453 : f32 to vector<16xf32>
    %add3A_455 = arith.addf %get3A_452, %add3A_454 : vector<16xf32>
    %mul3A_456 = arith.constant 1.550000e+01 : f32
    %mul3A_457 = vector.broadcast %mul3A_456 : f32 to vector<16xf32>
    %mul3A_458 = arith.mulf %add3A_455, %mul3A_457 : vector<16xf32>
    %convert_element_type3A_459 = arith.fptosi %mul3A_458 : vector<16xf32> to vector<16xi32>
    %get3A_460 = arith.index_cast %add3A_441 : i32 to index
    %get3A_461 = tpu.vector_load %arg9[%get3A_460] {strides = array<i32>} : memref<1024xf32, #tpu.memory_space<vmem>>, vector<16xf32>,
    %add3A_462 = arith.constant 1.000000e+00 : f32
    %add3A_463 = vector.broadcast %add3A_462 : f32 to vector<16xf32>
    %add3A_464 = arith.addf %get3A_461, %add3A_463 : vector<16xf32>
    %mul3A_465 = arith.constant 1.550000e+01 : f32
    %mul3A_466 = vector.broadcast %mul3A_465 : f32 to vector<16xf32>
    %mul3A_467 = arith.mulf %add3A_464, %mul3A_466 : vector<16xf32>
    %convert_element_type3A_468 = arith.fptosi %mul3A_467 : vector<16xf32> to vector<16xi32>
    %add3A_469 = arith.constant 0 : i32
    %add3A_470 = vector.broadcast %add3A_469 : i32 to vector<16xi32>
    %add3A_471 = arith.addi %convert_element_type3A_450, %add3A_470 : vector<16xi32>
    %jit3A_472 = arith.constant 0 : i32
    %jit3A_473 = arith.constant 31 : i32
    %max3A_474 = vector.broadcast %jit3A_472 : i32 to vector<16xi32>
    %max3A_475 = arith.maxsi %max3A_474, %add3A_471 : vector<16xi32>
    %min3A_476 = vector.broadcast %jit3A_473 : i32 to vector<16xi32>
    %min3A_477 = arith.minsi %min3A_476, %max3A_475 : vector<16xi32>
    %add3A_478 = arith.constant 0 : i32
    %add3A_479 = vector.broadcast %add3A_478 : i32 to vector<16xi32>
    %add3A_480 = arith.addi %convert_element_type3A_459, %add3A_479 : vector<16xi32>
    %jit3A_481 = arith.constant 0 : i32
    %jit3A_482 = arith.constant 31 : i32
    %max3A_483 = vector.broadcast %jit3A_481 : i32 to vector<16xi32>
    %max3A_484 = arith.maxsi %max3A_483, %add3A_480 : vector<16xi32>
    %min3A_485 = vector.broadcast %jit3A_482 : i32 to vector<16xi32>
    %min3A_486 = arith.minsi %min3A_485, %max3A_484 : vector<16xi32>
    %add3A_487 = arith.constant 0 : i32
    %add3A_488 = vector.broadcast %add3A_487 : i32 to vector<16xi32>
    %add3A_489 = arith.addi %convert_element_type3A_468, %add3A_488 : vector<16xi32>
    %jit3A_490 = arith.constant 0 : i32
    %jit3A_491 = arith.constant 31 : i32
    %max3A_492 = vector.broadcast %jit3A_490 : i32 to vector<16xi32>
    %max3A_493 = arith.maxsi %max3A_492, %add3A_489 : vector<16xi32>
    %min3A_494 = vector.broadcast %jit3A_491 : i32 to vector<16xi32>
    %min3A_495 = arith.minsi %min3A_494, %max3A_493 : vector<16xi32>
    %mul3A_496 = arith.constant 1024 : i32
    %mul3A_497 = vector.broadcast %mul3A_496 : i32 to vector<16xi32>
    %mul3A_498 = arith.muli %min3A_477, %mul3A_497 : vector<16xi32>
    %mul3A_499 = arith.constant 32 : i32
    %mul3A_500 = vector.broadcast %mul3A_499 : i32 to vector<16xi32>
    %mul3A_501 = arith.muli %min3A_486, %mul3A_500 : vector<16xi32>
    %add3A_502 = arith.addi %mul3A_498, %mul3A_501 : vector<16xi32>
    %add3A_503 = arith.addi %add3A_502, %min3A_495 : vector<16xi32>
    %add3A_504 = vector.broadcast %mul3A_20 : i32 to vector<16xi32>
    %add3A_505 = arith.addi %add3A_503, %add3A_504 : vector<16xi32>
    %mul3A_506 = arith.constant 16 : i32
    %mul3A_507 = arith.muli %add3A_437, %mul3A_506 : i32
    %add3A_508 = vector.broadcast %mul3A_507 : i32 to vector<16xi32>
    %add3A_509 = arith.addi %iota3A, %add3A_508 : vector<16xi32>
    %mul3A_510 = arith.constant 8 : i32
    %mul3A_511 = vector.broadcast %mul3A_510 : i32 to vector<16xi32>
    %mul3A_512 = arith.muli %add3A_509, %mul3A_511 : vector<16xi32>
    %add3A_513 = arith.constant 0 : i32
    %add3A_514 = vector.broadcast %add3A_513 : i32 to vector<16xi32>
    %add3A_515 = arith.addi %mul3A_512, %add3A_514 : vector<16xi32>
    tpu.vector_store_idx %arg11[%add3A_515], %add3A_505 : memref<128xi32, #tpu.memory_space<vmem>>[vector<16xi32>], vector<16xi32>,
    %add3A_516 = arith.constant 0 : i32
    %add3A_517 = vector.broadcast %add3A_516 : i32 to vector<16xi32>
    %add3A_518 = arith.addi %convert_element_type3A_450, %add3A_517 : vector<16xi32>
    %jit3A_519 = arith.constant 0 : i32
    %jit3A_520 = arith.constant 31 : i32
    %max3A_521 = vector.broadcast %jit3A_519 : i32 to vector<16xi32>
    %max3A_522 = arith.maxsi %max3A_521, %add3A_518 : vector<16xi32>
    %min3A_523 = vector.broadcast %jit3A_520 : i32 to vector<16xi32>
    %min3A_524 = arith.minsi %min3A_523, %max3A_522 : vector<16xi32>
    %add3A_525 = arith.constant 0 : i32
    %add3A_526 = vector.broadcast %add3A_525 : i32 to vector<16xi32>
    %add3A_527 = arith.addi %convert_element_type3A_459, %add3A_526 : vector<16xi32>
    %jit3A_528 = arith.constant 0 : i32
    %jit3A_529 = arith.constant 31 : i32
    %max3A_530 = vector.broadcast %jit3A_528 : i32 to vector<16xi32>
    %max3A_531 = arith.maxsi %max3A_530, %add3A_527 : vector<16xi32>
    %min3A_532 = vector.broadcast %jit3A_529 : i32 to vector<16xi32>
    %min3A_533 = arith.minsi %min3A_532, %max3A_531 : vector<16xi32>
    %add3A_534 = arith.constant 1 : i32
    %add3A_535 = vector.broadcast %add3A_534 : i32 to vector<16xi32>
    %add3A_536 = arith.addi %convert_element_type3A_468, %add3A_535 : vector<16xi32>
    %jit3A_537 = arith.constant 0 : i32
    %jit3A_538 = arith.constant 31 : i32
    %max3A_539 = vector.broadcast %jit3A_537 : i32 to vector<16xi32>
    %max3A_540 = arith.maxsi %max3A_539, %add3A_536 : vector<16xi32>
    %min3A_541 = vector.broadcast %jit3A_538 : i32 to vector<16xi32>
    %min3A_542 = arith.minsi %min3A_541, %max3A_540 : vector<16xi32>
    %mul3A_543 = arith.constant 1024 : i32
    %mul3A_544 = vector.broadcast %mul3A_543 : i32 to vector<16xi32>
    %mul3A_545 = arith.muli %min3A_524, %mul3A_544 : vector<16xi32>
    %mul3A_546 = arith.constant 32 : i32
    %mul3A_547 = vector.broadcast %mul3A_546 : i32 to vector<16xi32>
    %mul3A_548 = arith.muli %min3A_533, %mul3A_547 : vector<16xi32>
    %add3A_549 = arith.addi %mul3A_545, %mul3A_548 : vector<16xi32>
    %add3A_550 = arith.addi %add3A_549, %min3A_542 : vector<16xi32>
    %add3A_551 = vector.broadcast %mul3A_20 : i32 to vector<16xi32>
    %add3A_552 = arith.addi %add3A_550, %add3A_551 : vector<16xi32>
    %mul3A_553 = arith.constant 16 : i32
    %mul3A_554 = arith.muli %add3A_437, %mul3A_553 : i32
    %add3A_555 = vector.broadcast %mul3A_554 : i32 to vector<16xi32>
    %add3A_556 = arith.addi %iota3A, %add3A_555 : vector<16xi32>
    %mul3A_557 = arith.constant 8 : i32
    %mul3A_558 = vector.broadcast %mul3A_557 : i32 to vector<16xi32>
    %mul3A_559 = arith.muli %add3A_556, %mul3A_558 : vector<16xi32>
    %add3A_560 = arith.constant 1 : i32
    %add3A_561 = vector.broadcast %add3A_560 : i32 to vector<16xi32>
    %add3A_562 = arith.addi %mul3A_559, %add3A_561 : vector<16xi32>
    tpu.vector_store_idx %arg11[%add3A_562], %add3A_552 : memref<128xi32, #tpu.memory_space<vmem>>[vector<16xi32>], vector<16xi32>,
    %add3A_563 = arith.constant 0 : i32
    %add3A_564 = vector.broadcast %add3A_563 : i32 to vector<16xi32>
    %add3A_565 = arith.addi %convert_element_type3A_450, %add3A_564 : vector<16xi32>
    %jit3A_566 = arith.constant 0 : i32
    %jit3A_567 = arith.constant 31 : i32
    %max3A_568 = vector.broadcast %jit3A_566 : i32 to vector<16xi32>
    %max3A_569 = arith.maxsi %max3A_568, %add3A_565 : vector<16xi32>
    %min3A_570 = vector.broadcast %jit3A_567 : i32 to vector<16xi32>
    %min3A_571 = arith.minsi %min3A_570, %max3A_569 : vector<16xi32>
    %add3A_572 = arith.constant 1 : i32
    %add3A_573 = vector.broadcast %add3A_572 : i32 to vector<16xi32>
    %add3A_574 = arith.addi %convert_element_type3A_459, %add3A_573 : vector<16xi32>
    %jit3A_575 = arith.constant 0 : i32
    %jit3A_576 = arith.constant 31 : i32
    %max3A_577 = vector.broadcast %jit3A_575 : i32 to vector<16xi32>
    %max3A_578 = arith.maxsi %max3A_577, %add3A_574 : vector<16xi32>
    %min3A_579 = vector.broadcast %jit3A_576 : i32 to vector<16xi32>
    %min3A_580 = arith.minsi %min3A_579, %max3A_578 : vector<16xi32>
    %add3A_581 = arith.constant 0 : i32
    %add3A_582 = vector.broadcast %add3A_581 : i32 to vector<16xi32>
    %add3A_583 = arith.addi %convert_element_type3A_468, %add3A_582 : vector<16xi32>
    %jit3A_584 = arith.constant 0 : i32
    %jit3A_585 = arith.constant 31 : i32
    %max3A_586 = vector.broadcast %jit3A_584 : i32 to vector<16xi32>
    %max3A_587 = arith.maxsi %max3A_586, %add3A_583 : vector<16xi32>
    %min3A_588 = vector.broadcast %jit3A_585 : i32 to vector<16xi32>
    %min3A_589 = arith.minsi %min3A_588, %max3A_587 : vector<16xi32>
    %mul3A_590 = arith.constant 1024 : i32
    %mul3A_591 = vector.broadcast %mul3A_590 : i32 to vector<16xi32>
    %mul3A_592 = arith.muli %min3A_571, %mul3A_591 : vector<16xi32>
    %mul3A_593 = arith.constant 32 : i32
    %mul3A_594 = vector.broadcast %mul3A_593 : i32 to vector<16xi32>
    %mul3A_595 = arith.muli %min3A_580, %mul3A_594 : vector<16xi32>
    %add3A_596 = arith.addi %mul3A_592, %mul3A_595 : vector<16xi32>
    %add3A_597 = arith.addi %add3A_596, %min3A_589 : vector<16xi32>
    %add3A_598 = vector.broadcast %mul3A_20 : i32 to vector<16xi32>
    %add3A_599 = arith.addi %add3A_597, %add3A_598 : vector<16xi32>
    %mul3A_600 = arith.constant 16 : i32
    %mul3A_601 = arith.muli %add3A_437, %mul3A_600 : i32
    %add3A_602 = vector.broadcast %mul3A_601 : i32 to vector<16xi32>
    %add3A_603 = arith.addi %iota3A, %add3A_602 : vector<16xi32>
    %mul3A_604 = arith.constant 8 : i32
    %mul3A_605 = vector.broadcast %mul3A_604 : i32 to vector<16xi32>
    %mul3A_606 = arith.muli %add3A_603, %mul3A_605 : vector<16xi32>
    %add3A_607 = arith.constant 2 : i32
    %add3A_608 = vector.broadcast %add3A_607 : i32 to vector<16xi32>
    %add3A_609 = arith.addi %mul3A_606, %add3A_608 : vector<16xi32>
    tpu.vector_store_idx %arg11[%add3A_609], %add3A_599 : memref<128xi32, #tpu.memory_space<vmem>>[vector<16xi32>], vector<16xi32>,
    %add3A_610 = arith.constant 0 : i32
    %add3A_611 = vector.broadcast %add3A_610 : i32 to vector<16xi32>
    %add3A_612 = arith.addi %convert_element_type3A_450, %add3A_611 : vector<16xi32>
    %jit3A_613 = arith.constant 0 : i32
    %jit3A_614 = arith.constant 31 : i32
    %max3A_615 = vector.broadcast %jit3A_613 : i32 to vector<16xi32>
    %max3A_616 = arith.maxsi %max3A_615, %add3A_612 : vector<16xi32>
    %min3A_617 = vector.broadcast %jit3A_614 : i32 to vector<16xi32>
    %min3A_618 = arith.minsi %min3A_617, %max3A_616 : vector<16xi32>
    %add3A_619 = arith.constant 1 : i32
    %add3A_620 = vector.broadcast %add3A_619 : i32 to vector<16xi32>
    %add3A_621 = arith.addi %convert_element_type3A_459, %add3A_620 : vector<16xi32>
    %jit3A_622 = arith.constant 0 : i32
    %jit3A_623 = arith.constant 31 : i32
    %max3A_624 = vector.broadcast %jit3A_622 : i32 to vector<16xi32>
    %max3A_625 = arith.maxsi %max3A_624, %add3A_621 : vector<16xi32>
    %min3A_626 = vector.broadcast %jit3A_623 : i32 to vector<16xi32>
    %min3A_627 = arith.minsi %min3A_626, %max3A_625 : vector<16xi32>
    %add3A_628 = arith.constant 1 : i32
    %add3A_629 = vector.broadcast %add3A_628 : i32 to vector<16xi32>
    %add3A_630 = arith.addi %convert_element_type3A_468, %add3A_629 : vector<16xi32>
    %jit3A_631 = arith.constant 0 : i32
    %jit3A_632 = arith.constant 31 : i32
    %max3A_633 = vector.broadcast %jit3A_631 : i32 to vector<16xi32>
    %max3A_634 = arith.maxsi %max3A_633, %add3A_630 : vector<16xi32>
    %min3A_635 = vector.broadcast %jit3A_632 : i32 to vector<16xi32>
    %min3A_636 = arith.minsi %min3A_635, %max3A_634 : vector<16xi32>
    %mul3A_637 = arith.constant 1024 : i32
    %mul3A_638 = vector.broadcast %mul3A_637 : i32 to vector<16xi32>
    %mul3A_639 = arith.muli %min3A_618, %mul3A_638 : vector<16xi32>
    %mul3A_640 = arith.constant 32 : i32
    %mul3A_641 = vector.broadcast %mul3A_640 : i32 to vector<16xi32>
    %mul3A_642 = arith.muli %min3A_627, %mul3A_641 : vector<16xi32>
    %add3A_643 = arith.addi %mul3A_639, %mul3A_642 : vector<16xi32>
    %add3A_644 = arith.addi %add3A_643, %min3A_636 : vector<16xi32>
    %add3A_645 = vector.broadcast %mul3A_20 : i32 to vector<16xi32>
    %add3A_646 = arith.addi %add3A_644, %add3A_645 : vector<16xi32>
    %mul3A_647 = arith.constant 16 : i32
    %mul3A_648 = arith.muli %add3A_437, %mul3A_647 : i32
    %add3A_649 = vector.broadcast %mul3A_648 : i32 to vector<16xi32>
    %add3A_650 = arith.addi %iota3A, %add3A_649 : vector<16xi32>
    %mul3A_651 = arith.constant 8 : i32
    %mul3A_652 = vector.broadcast %mul3A_651 : i32 to vector<16xi32>
    %mul3A_653 = arith.muli %add3A_650, %mul3A_652 : vector<16xi32>
    %add3A_654 = arith.constant 3 : i32
    %add3A_655 = vector.broadcast %add3A_654 : i32 to vector<16xi32>
    %add3A_656 = arith.addi %mul3A_653, %add3A_655 : vector<16xi32>
    tpu.vector_store_idx %arg11[%add3A_656], %add3A_646 : memref<128xi32, #tpu.memory_space<vmem>>[vector<16xi32>], vector<16xi32>,
    %add3A_657 = arith.constant 1 : i32
    %add3A_658 = vector.broadcast %add3A_657 : i32 to vector<16xi32>
    %add3A_659 = arith.addi %convert_element_type3A_450, %add3A_658 : vector<16xi32>
    %jit3A_660 = arith.constant 0 : i32
    %jit3A_661 = arith.constant 31 : i32
    %max3A_662 = vector.broadcast %jit3A_660 : i32 to vector<16xi32>
    %max3A_663 = arith.maxsi %max3A_662, %add3A_659 : vector<16xi32>
    %min3A_664 = vector.broadcast %jit3A_661 : i32 to vector<16xi32>
    %min3A_665 = arith.minsi %min3A_664, %max3A_663 : vector<16xi32>
    %add3A_666 = arith.constant 0 : i32
    %add3A_667 = vector.broadcast %add3A_666 : i32 to vector<16xi32>
    %add3A_668 = arith.addi %convert_element_type3A_459, %add3A_667 : vector<16xi32>
    %jit3A_669 = arith.constant 0 : i32
    %jit3A_670 = arith.constant 31 : i32
    %max3A_671 = vector.broadcast %jit3A_669 : i32 to vector<16xi32>
    %max3A_672 = arith.maxsi %max3A_671, %add3A_668 : vector<16xi32>
    %min3A_673 = vector.broadcast %jit3A_670 : i32 to vector<16xi32>
    %min3A_674 = arith.minsi %min3A_673, %max3A_672 : vector<16xi32>
    %add3A_675 = arith.constant 0 : i32
    %add3A_676 = vector.broadcast %add3A_675 : i32 to vector<16xi32>
    %add3A_677 = arith.addi %convert_element_type3A_468, %add3A_676 : vector<16xi32>
    %jit3A_678 = arith.constant 0 : i32
    %jit3A_679 = arith.constant 31 : i32
    %max3A_680 = vector.broadcast %jit3A_678 : i32 to vector<16xi32>
    %max3A_681 = arith.maxsi %max3A_680, %add3A_677 : vector<16xi32>
    %min3A_682 = vector.broadcast %jit3A_679 : i32 to vector<16xi32>
    %min3A_683 = arith.minsi %min3A_682, %max3A_681 : vector<16xi32>
    %mul3A_684 = arith.constant 1024 : i32
    %mul3A_685 = vector.broadcast %mul3A_684 : i32 to vector<16xi32>
    %mul3A_686 = arith.muli %min3A_665, %mul3A_685 : vector<16xi32>
    %mul3A_687 = arith.constant 32 : i32
    %mul3A_688 = vector.broadcast %mul3A_687 : i32 to vector<16xi32>
    %mul3A_689 = arith.muli %min3A_674, %mul3A_688 : vector<16xi32>
    %add3A_690 = arith.addi %mul3A_686, %mul3A_689 : vector<16xi32>
    %add3A_691 = arith.addi %add3A_690, %min3A_683 : vector<16xi32>
    %add3A_692 = vector.broadcast %mul3A_20 : i32 to vector<16xi32>
    %add3A_693 = arith.addi %add3A_691, %add3A_692 : vector<16xi32>
    %mul3A_694 = arith.constant 16 : i32
    %mul3A_695 = arith.muli %add3A_437, %mul3A_694 : i32
    %add3A_696 = vector.broadcast %mul3A_695 : i32 to vector<16xi32>
    %add3A_697 = arith.addi %iota3A, %add3A_696 : vector<16xi32>
    %mul3A_698 = arith.constant 8 : i32
    %mul3A_699 = vector.broadcast %mul3A_698 : i32 to vector<16xi32>
    %mul3A_700 = arith.muli %add3A_697, %mul3A_699 : vector<16xi32>
    %add3A_701 = arith.constant 4 : i32
    %add3A_702 = vector.broadcast %add3A_701 : i32 to vector<16xi32>
    %add3A_703 = arith.addi %mul3A_700, %add3A_702 : vector<16xi32>
    tpu.vector_store_idx %arg11[%add3A_703], %add3A_693 : memref<128xi32, #tpu.memory_space<vmem>>[vector<16xi32>], vector<16xi32>,
    %add3A_704 = arith.constant 1 : i32
    %add3A_705 = vector.broadcast %add3A_704 : i32 to vector<16xi32>
    %add3A_706 = arith.addi %convert_element_type3A_450, %add3A_705 : vector<16xi32>
    %jit3A_707 = arith.constant 0 : i32
    %jit3A_708 = arith.constant 31 : i32
    %max3A_709 = vector.broadcast %jit3A_707 : i32 to vector<16xi32>
    %max3A_710 = arith.maxsi %max3A_709, %add3A_706 : vector<16xi32>
    %min3A_711 = vector.broadcast %jit3A_708 : i32 to vector<16xi32>
    %min3A_712 = arith.minsi %min3A_711, %max3A_710 : vector<16xi32>
    %add3A_713 = arith.constant 0 : i32
    %add3A_714 = vector.broadcast %add3A_713 : i32 to vector<16xi32>
    %add3A_715 = arith.addi %convert_element_type3A_459, %add3A_714 : vector<16xi32>
    %jit3A_716 = arith.constant 0 : i32
    %jit3A_717 = arith.constant 31 : i32
    %max3A_718 = vector.broadcast %jit3A_716 : i32 to vector<16xi32>
    %max3A_719 = arith.maxsi %max3A_718, %add3A_715 : vector<16xi32>
    %min3A_720 = vector.broadcast %jit3A_717 : i32 to vector<16xi32>
    %min3A_721 = arith.minsi %min3A_720, %max3A_719 : vector<16xi32>
    %add3A_722 = arith.constant 1 : i32
    %add3A_723 = vector.broadcast %add3A_722 : i32 to vector<16xi32>
    %add3A_724 = arith.addi %convert_element_type3A_468, %add3A_723 : vector<16xi32>
    %jit3A_725 = arith.constant 0 : i32
    %jit3A_726 = arith.constant 31 : i32
    %max3A_727 = vector.broadcast %jit3A_725 : i32 to vector<16xi32>
    %max3A_728 = arith.maxsi %max3A_727, %add3A_724 : vector<16xi32>
    %min3A_729 = vector.broadcast %jit3A_726 : i32 to vector<16xi32>
    %min3A_730 = arith.minsi %min3A_729, %max3A_728 : vector<16xi32>
    %mul3A_731 = arith.constant 1024 : i32
    %mul3A_732 = vector.broadcast %mul3A_731 : i32 to vector<16xi32>
    %mul3A_733 = arith.muli %min3A_712, %mul3A_732 : vector<16xi32>
    %mul3A_734 = arith.constant 32 : i32
    %mul3A_735 = vector.broadcast %mul3A_734 : i32 to vector<16xi32>
    %mul3A_736 = arith.muli %min3A_721, %mul3A_735 : vector<16xi32>
    %add3A_737 = arith.addi %mul3A_733, %mul3A_736 : vector<16xi32>
    %add3A_738 = arith.addi %add3A_737, %min3A_730 : vector<16xi32>
    %add3A_739 = vector.broadcast %mul3A_20 : i32 to vector<16xi32>
    %add3A_740 = arith.addi %add3A_738, %add3A_739 : vector<16xi32>
    %mul3A_741 = arith.constant 16 : i32
    %mul3A_742 = arith.muli %add3A_437, %mul3A_741 : i32
    %add3A_743 = vector.broadcast %mul3A_742 : i32 to vector<16xi32>
    %add3A_744 = arith.addi %iota3A, %add3A_743 : vector<16xi32>
    %mul3A_745 = arith.constant 8 : i32
    %mul3A_746 = vector.broadcast %mul3A_745 : i32 to vector<16xi32>
    %mul3A_747 = arith.muli %add3A_744, %mul3A_746 : vector<16xi32>
    %add3A_748 = arith.constant 5 : i32
    %add3A_749 = vector.broadcast %add3A_748 : i32 to vector<16xi32>
    %add3A_750 = arith.addi %mul3A_747, %add3A_749 : vector<16xi32>
    tpu.vector_store_idx %arg11[%add3A_750], %add3A_740 : memref<128xi32, #tpu.memory_space<vmem>>[vector<16xi32>], vector<16xi32>,
    %add3A_751 = arith.constant 1 : i32
    %add3A_752 = vector.broadcast %add3A_751 : i32 to vector<16xi32>
    %add3A_753 = arith.addi %convert_element_type3A_450, %add3A_752 : vector<16xi32>
    %jit3A_754 = arith.constant 0 : i32
    %jit3A_755 = arith.constant 31 : i32
    %max3A_756 = vector.broadcast %jit3A_754 : i32 to vector<16xi32>
    %max3A_757 = arith.maxsi %max3A_756, %add3A_753 : vector<16xi32>
    %min3A_758 = vector.broadcast %jit3A_755 : i32 to vector<16xi32>
    %min3A_759 = arith.minsi %min3A_758, %max3A_757 : vector<16xi32>
    %add3A_760 = arith.constant 1 : i32
    %add3A_761 = vector.broadcast %add3A_760 : i32 to vector<16xi32>
    %add3A_762 = arith.addi %convert_element_type3A_459, %add3A_761 : vector<16xi32>
    %jit3A_763 = arith.constant 0 : i32
    %jit3A_764 = arith.constant 31 : i32
    %max3A_765 = vector.broadcast %jit3A_763 : i32 to vector<16xi32>
    %max3A_766 = arith.maxsi %max3A_765, %add3A_762 : vector<16xi32>
    %min3A_767 = vector.broadcast %jit3A_764 : i32 to vector<16xi32>
    %min3A_768 = arith.minsi %min3A_767, %max3A_766 : vector<16xi32>
    %add3A_769 = arith.constant 0 : i32
    %add3A_770 = vector.broadcast %add3A_769 : i32 to vector<16xi32>
    %add3A_771 = arith.addi %convert_element_type3A_468, %add3A_770 : vector<16xi32>
    %jit3A_772 = arith.constant 0 : i32
    %jit3A_773 = arith.constant 31 : i32
    %max3A_774 = vector.broadcast %jit3A_772 : i32 to vector<16xi32>
    %max3A_775 = arith.maxsi %max3A_774, %add3A_771 : vector<16xi32>
    %min3A_776 = vector.broadcast %jit3A_773 : i32 to vector<16xi32>
    %min3A_777 = arith.minsi %min3A_776, %max3A_775 : vector<16xi32>
    %mul3A_778 = arith.constant 1024 : i32
    %mul3A_779 = vector.broadcast %mul3A_778 : i32 to vector<16xi32>
    %mul3A_780 = arith.muli %min3A_759, %mul3A_779 : vector<16xi32>
    %mul3A_781 = arith.constant 32 : i32
    %mul3A_782 = vector.broadcast %mul3A_781 : i32 to vector<16xi32>
    %mul3A_783 = arith.muli %min3A_768, %mul3A_782 : vector<16xi32>
    %add3A_784 = arith.addi %mul3A_780, %mul3A_783 : vector<16xi32>
    %add3A_785 = arith.addi %add3A_784, %min3A_777 : vector<16xi32>
    %add3A_786 = vector.broadcast %mul3A_20 : i32 to vector<16xi32>
    %add3A_787 = arith.addi %add3A_785, %add3A_786 : vector<16xi32>
    %mul3A_788 = arith.constant 16 : i32
    %mul3A_789 = arith.muli %add3A_437, %mul3A_788 : i32
    %add3A_790 = vector.broadcast %mul3A_789 : i32 to vector<16xi32>
    %add3A_791 = arith.addi %iota3A, %add3A_790 : vector<16xi32>
    %mul3A_792 = arith.constant 8 : i32
    %mul3A_793 = vector.broadcast %mul3A_792 : i32 to vector<16xi32>
    %mul3A_794 = arith.muli %add3A_791, %mul3A_793 : vector<16xi32>
    %add3A_795 = arith.constant 6 : i32
    %add3A_796 = vector.broadcast %add3A_795 : i32 to vector<16xi32>
    %add3A_797 = arith.addi %mul3A_794, %add3A_796 : vector<16xi32>
    tpu.vector_store_idx %arg11[%add3A_797], %add3A_787 : memref<128xi32, #tpu.memory_space<vmem>>[vector<16xi32>], vector<16xi32>,
    %add3A_798 = arith.constant 1 : i32
    %add3A_799 = vector.broadcast %add3A_798 : i32 to vector<16xi32>
    %add3A_800 = arith.addi %convert_element_type3A_450, %add3A_799 : vector<16xi32>
    %jit3A_801 = arith.constant 0 : i32
    %jit3A_802 = arith.constant 31 : i32
    %max3A_803 = vector.broadcast %jit3A_801 : i32 to vector<16xi32>
    %max3A_804 = arith.maxsi %max3A_803, %add3A_800 : vector<16xi32>
    %min3A_805 = vector.broadcast %jit3A_802 : i32 to vector<16xi32>
    %min3A_806 = arith.minsi %min3A_805, %max3A_804 : vector<16xi32>
    %add3A_807 = arith.constant 1 : i32
    %add3A_808 = vector.broadcast %add3A_807 : i32 to vector<16xi32>
    %add3A_809 = arith.addi %convert_element_type3A_459, %add3A_808 : vector<16xi32>
    %jit3A_810 = arith.constant 0 : i32
    %jit3A_811 = arith.constant 31 : i32
    %max3A_812 = vector.broadcast %jit3A_810 : i32 to vector<16xi32>
    %max3A_813 = arith.maxsi %max3A_812, %add3A_809 : vector<16xi32>
    %min3A_814 = vector.broadcast %jit3A_811 : i32 to vector<16xi32>
    %min3A_815 = arith.minsi %min3A_814, %max3A_813 : vector<16xi32>
    %add3A_816 = arith.constant 1 : i32
    %add3A_817 = vector.broadcast %add3A_816 : i32 to vector<16xi32>
    %add3A_818 = arith.addi %convert_element_type3A_468, %add3A_817 : vector<16xi32>
    %jit3A_819 = arith.constant 0 : i32
    %jit3A_820 = arith.constant 31 : i32
    %max3A_821 = vector.broadcast %jit3A_819 : i32 to vector<16xi32>
    %max3A_822 = arith.maxsi %max3A_821, %add3A_818 : vector<16xi32>
    %min3A_823 = vector.broadcast %jit3A_820 : i32 to vector<16xi32>
    %min3A_824 = arith.minsi %min3A_823, %max3A_822 : vector<16xi32>
    %mul3A_825 = arith.constant 1024 : i32
    %mul3A_826 = vector.broadcast %mul3A_825 : i32 to vector<16xi32>
    %mul3A_827 = arith.muli %min3A_806, %mul3A_826 : vector<16xi32>
    %mul3A_828 = arith.constant 32 : i32
    %mul3A_829 = vector.broadcast %mul3A_828 : i32 to vector<16xi32>
    %mul3A_830 = arith.muli %min3A_815, %mul3A_829 : vector<16xi32>
    %add3A_831 = arith.addi %mul3A_827, %mul3A_830 : vector<16xi32>
    %add3A_832 = arith.addi %add3A_831, %min3A_824 : vector<16xi32>
    %add3A_833 = vector.broadcast %mul3A_20 : i32 to vector<16xi32>
    %add3A_834 = arith.addi %add3A_832, %add3A_833 : vector<16xi32>
    %mul3A_835 = arith.constant 16 : i32
    %mul3A_836 = arith.muli %add3A_437, %mul3A_835 : i32
    %add3A_837 = vector.broadcast %mul3A_836 : i32 to vector<16xi32>
    %add3A_838 = arith.addi %iota3A, %add3A_837 : vector<16xi32>
    %mul3A_839 = arith.constant 8 : i32
    %mul3A_840 = vector.broadcast %mul3A_839 : i32 to vector<16xi32>
    %mul3A_841 = arith.muli %add3A_838, %mul3A_840 : vector<16xi32>
    %add3A_842 = arith.constant 7 : i32
    %add3A_843 = vector.broadcast %add3A_842 : i32 to vector<16xi32>
    %add3A_844 = arith.addi %mul3A_841, %add3A_843 : vector<16xi32>
    tpu.vector_store_idx %arg11[%add3A_844], %add3A_834 : memref<128xi32, #tpu.memory_space<vmem>>[vector<16xi32>], vector<16xi32>,
    %scan3A_845 = arith.constant 1 : i32
    %dma_start3A_846 = arith.constant 0 : i32
    %dma_start3A_847 = arith.constant 0 : i32
    %dma_start3A_848 = tpu.memref_slice %arg2[%dma_start3A_846, %dma_start3A_847] : memref<65536x256xf32, #tpu.memory_space<hbm>> -> memref<65536x256xf32, #tpu.memory_space<hbm>>
    tpu.enqueue_indirect_dma source(%dma_start3A_848 : memref<65536x256xf32, #tpu.memory_space<hbm>>) target(%arg13 : memref<128x256xf32, #tpu.memory_space<vmem>>) offsets(%arg11 : memref<128xi32, #tpu.memory_space<vmem>>) semaphore(%arg15 : memref<!tpu.dma_semaphore, #tpu.memory_space<semaphore_mem>>)
    %scan3A_849 = arith.constant 0 : i32
    %scan3A_850 = arith.constant 32 : i32
    %scan3A_851 = arith.addi %scan3A_849, %scan3A_850 : i32
    %scan3A_852 = arith.constant 1 : i32
    scf.for %scan3A_854 = %scan3A_849 to %scan3A_851 step %scan3A_852  : i32 {
      %mul3A_855 = arith.constant 1 : i32
      %mul3A_856 = arith.muli %scan3A_854, %mul3A_855 : i32
      %add3A_857 = arith.constant 0 : i32
      %add3A_858 = arith.addi %add3A_857, %mul3A_856 : i32
      %mul3A_859 = arith.constant 2 : i32
      %mul3A_860 = arith.muli %mul3A_859, %add3A_858 : i32
      %dma_wait3A = arith.constant 0 : i32
      %dma_wait3A_861 = arith.constant 0 : i32
      %dma_wait3A_862 = tpu.memref_slice %arg2[%dma_wait3A, %dma_wait3A_861] : memref<65536x256xf32, #tpu.memory_space<hbm>> -> memref<65536x256xf32, #tpu.memory_space<hbm>>
      tpu.wait_indirect_dma semaphore(%arg14 : memref<!tpu.dma_semaphore, #tpu.memory_space<semaphore_mem>>) src(%dma_wait3A_862 : memref<65536x256xf32, #tpu.memory_space<hbm>>) dst(%arg12 : memref<128x256xf32, #tpu.memory_space<vmem>>)
      %mul3A_863 = arith.constant 128 : i32
      %mul3A_864 = arith.muli %mul3A_860, %mul3A_863 : i32
      %add3A_865 = arith.addi %mul3A_22, %mul3A_864 : i32
      %dma_start3A_866 = arith.constant 0 : i32
      %dma_start3A_867 = tpu.memref_slice %arg6[%add3A_865, %dma_start3A_866] : memref<262144x256xf32, #tpu.memory_space<hbm>> -> memref<128x256xf32, #tpu.memory_space<hbm>>
      %dma_start3A_868 = arith.constant 0 : i32
      %dma_start3A_869 = tpu.memref_slice %arg6[%add3A_865, %dma_start3A_868] : memref<262144x256xf32, #tpu.memory_space<hbm>> -> memref<128x256xf32, #tpu.memory_space<hbm>>
      tpu.enqueue_dma source(%arg12 : memref<128x256xf32, #tpu.memory_space<vmem>>) target(%dma_start3A_869 : memref<128x256xf32, #tpu.memory_space<hbm>>) target_semaphore(%arg16 : memref<!tpu.dma_semaphore, #tpu.memory_space<semaphore_mem>>)
      %dma_wait3A_870 = arith.constant 0 : i32
      %dma_wait3A_871 = arith.constant 0 : i32
      %dma_wait3A_872 = tpu.memref_slice %arg2[%dma_wait3A_870, %dma_wait3A_871] : memref<65536x256xf32, #tpu.memory_space<hbm>> -> memref<65536x256xf32, #tpu.memory_space<hbm>>
      tpu.wait_indirect_dma semaphore(%arg15 : memref<!tpu.dma_semaphore, #tpu.memory_space<semaphore_mem>>) src(%dma_wait3A_872 : memref<65536x256xf32, #tpu.memory_space<hbm>>) dst(%arg13 : memref<128x256xf32, #tpu.memory_space<vmem>>)
      %add3A_873 = arith.constant 1 : i32
      %add3A_874 = arith.addi %mul3A_860, %add3A_873 : i32
      %mul3A_875 = arith.constant 128 : i32
      %mul3A_876 = arith.muli %add3A_874, %mul3A_875 : i32
      %add3A_877 = arith.addi %mul3A_22, %mul3A_876 : i32
      %dma_start3A_878 = arith.constant 0 : i32
      %dma_start3A_879 = tpu.memref_slice %arg6[%add3A_877, %dma_start3A_878] : memref<262144x256xf32, #tpu.memory_space<hbm>> -> memref<128x256xf32, #tpu.memory_space<hbm>>
      %dma_start3A_880 = arith.constant 0 : i32
      %dma_start3A_881 = tpu.memref_slice %arg6[%add3A_877, %dma_start3A_880] : memref<262144x256xf32, #tpu.memory_space<hbm>> -> memref<128x256xf32, #tpu.memory_space<hbm>>
      tpu.enqueue_dma source(%arg13 : memref<128x256xf32, #tpu.memory_space<vmem>>) target(%dma_start3A_881 : memref<128x256xf32, #tpu.memory_space<hbm>>) target_semaphore(%arg17 : memref<!tpu.dma_semaphore, #tpu.memory_space<semaphore_mem>>)
      %mul3A_882 = arith.constant 128 : i32
      %mul3A_883 = arith.muli %mul3A_860, %mul3A_882 : i32
      %add3A_884 = arith.addi %mul3A_22, %mul3A_883 : i32
      %dma_wait3A_885 = arith.constant 0 : i32
      %dma_wait3A_886 = tpu.memref_slice %arg6[%add3A_884, %dma_wait3A_885] : memref<262144x256xf32, #tpu.memory_space<hbm>> -> memref<128x256xf32, #tpu.memory_space<hbm>>
      %dma_wait3A_887 = arith.constant 0 : i32
      %dma_wait3A_888 = tpu.memref_slice %arg6[%add3A_884, %dma_wait3A_887] : memref<262144x256xf32, #tpu.memory_space<hbm>> -> memref<128x256xf32, #tpu.memory_space<hbm>>
      tpu.wait_dma2 semaphore(%arg16 : memref<!tpu.dma_semaphore, #tpu.memory_space<semaphore_mem>>) src(%arg12 : memref<128x256xf32, #tpu.memory_space<vmem>>) dst(%dma_wait3A_888 : memref<128x256xf32, #tpu.memory_space<hbm>>)
      %lt3A = arith.constant 31 : i32
      %lt3A_889 = arith.cmpi slt, %add3A_858, %lt3A : i32
      %convert_element_type3A_890 = arith.extui %lt3A_889 : i1 to i32
      %cond3A = arith.constant 0 : i32
      %cond3A_891 = arith.cmpi ne, %convert_element_type3A_890, %cond3A : i32
      scf.if %cond3A_891 {
        %add3A_906 = arith.constant 2 : i32
        %add3A_907 = arith.addi %mul3A_860, %add3A_906 : i32
        %scan3A_908 = arith.constant 0 : i32
        %mul3A_909 = arith.constant 1 : i32
        %mul3A_910 = arith.muli %scan3A_908, %mul3A_909 : i32
        %add3A_911 = arith.constant 0 : i32
        %add3A_912 = arith.addi %add3A_911, %mul3A_910 : i32
        %mul3A_913 = arith.constant 16 : i32
        %mul3A_914 = arith.muli %add3A_907, %mul3A_913 : i32
        %mul3A_915 = arith.constant 16 : i32
        %mul3A_916 = arith.muli %add3A_912, %mul3A_915 : i32
        %add3A_917 = arith.addi %mul3A_914, %mul3A_916 : i32
        %get3A_918 = arith.index_cast %add3A_917 : i32 to index
        %get3A_919 = tpu.vector_load %arg7[%get3A_918] {strides = array<i32>} : memref<1024xf32, #tpu.memory_space<vmem>>, vector<16xf32>,
        %add3A_920 = arith.constant 1.000000e+00 : f32
        %add3A_921 = vector.broadcast %add3A_920 : f32 to vector<16xf32>
        %add3A_922 = arith.addf %get3A_919, %add3A_921 : vector<16xf32>
        %mul3A_923 = arith.constant 1.550000e+01 : f32
        %mul3A_924 = vector.broadcast %mul3A_923 : f32 to vector<16xf32>
        %mul3A_925 = arith.mulf %add3A_922, %mul3A_924 : vector<16xf32>
        %convert_element_type3A_926 = arith.fptosi %mul3A_925 : vector<16xf32> to vector<16xi32>
        %get3A_927 = arith.index_cast %add3A_917 : i32 to index
        %get3A_928 = tpu.vector_load %arg8[%get3A_927] {strides = array<i32>} : memref<1024xf32, #tpu.memory_space<vmem>>, vector<16xf32>,
        %add3A_929 = arith.constant 1.000000e+00 : f32
        %add3A_930 = vector.broadcast %add3A_929 : f32 to vector<16xf32>
        %add3A_931 = arith.addf %get3A_928, %add3A_930 : vector<16xf32>
        %mul3A_932 = arith.constant 1.550000e+01 : f32
        %mul3A_933 = vector.broadcast %mul3A_932 : f32 to vector<16xf32>
        %mul3A_934 = arith.mulf %add3A_931, %mul3A_933 : vector<16xf32>
        %convert_element_type3A_935 = arith.fptosi %mul3A_934 : vector<16xf32> to vector<16xi32>
        %get3A_936 = arith.index_cast %add3A_917 : i32 to index
        %get3A_937 = tpu.vector_load %arg9[%get3A_936] {strides = array<i32>} : memref<1024xf32, #tpu.memory_space<vmem>>, vector<16xf32>,
        %add3A_938 = arith.constant 1.000000e+00 : f32
        %add3A_939 = vector.broadcast %add3A_938 : f32 to vector<16xf32>
        %add3A_940 = arith.addf %get3A_937, %add3A_939 : vector<16xf32>
        %mul3A_941 = arith.constant 1.550000e+01 : f32
        %mul3A_942 = vector.broadcast %mul3A_941 : f32 to vector<16xf32>
        %mul3A_943 = arith.mulf %add3A_940, %mul3A_942 : vector<16xf32>
        %convert_element_type3A_944 = arith.fptosi %mul3A_943 : vector<16xf32> to vector<16xi32>
        %add3A_945 = arith.constant 0 : i32
        %add3A_946 = vector.broadcast %add3A_945 : i32 to vector<16xi32>
        %add3A_947 = arith.addi %convert_element_type3A_926, %add3A_946 : vector<16xi32>
        %jit3A_948 = arith.constant 0 : i32
        %jit3A_949 = arith.constant 31 : i32
        %max3A_950 = vector.broadcast %jit3A_948 : i32 to vector<16xi32>
        %max3A_951 = arith.maxsi %max3A_950, %add3A_947 : vector<16xi32>
        %min3A_952 = vector.broadcast %jit3A_949 : i32 to vector<16xi32>
        %min3A_953 = arith.minsi %min3A_952, %max3A_951 : vector<16xi32>
        %add3A_954 = arith.constant 0 : i32
        %add3A_955 = vector.broadcast %add3A_954 : i32 to vector<16xi32>
        %add3A_956 = arith.addi %convert_element_type3A_935, %add3A_955 : vector<16xi32>
        %jit3A_957 = arith.constant 0 : i32
        %jit3A_958 = arith.constant 31 : i32
        %max3A_959 = vector.broadcast %jit3A_957 : i32 to vector<16xi32>
        %max3A_960 = arith.maxsi %max3A_959, %add3A_956 : vector<16xi32>
        %min3A_961 = vector.broadcast %jit3A_958 : i32 to vector<16xi32>
        %min3A_962 = arith.minsi %min3A_961, %max3A_960 : vector<16xi32>
        %add3A_963 = arith.constant 0 : i32
        %add3A_964 = vector.broadcast %add3A_963 : i32 to vector<16xi32>
        %add3A_965 = arith.addi %convert_element_type3A_944, %add3A_964 : vector<16xi32>
        %jit3A_966 = arith.constant 0 : i32
        %jit3A_967 = arith.constant 31 : i32
        %max3A_968 = vector.broadcast %jit3A_966 : i32 to vector<16xi32>
        %max3A_969 = arith.maxsi %max3A_968, %add3A_965 : vector<16xi32>
        %min3A_970 = vector.broadcast %jit3A_967 : i32 to vector<16xi32>
        %min3A_971 = arith.minsi %min3A_970, %max3A_969 : vector<16xi32>
        %mul3A_972 = arith.constant 1024 : i32
        %mul3A_973 = vector.broadcast %mul3A_972 : i32 to vector<16xi32>
        %mul3A_974 = arith.muli %min3A_953, %mul3A_973 : vector<16xi32>
        %mul3A_975 = arith.constant 32 : i32
        %mul3A_976 = vector.broadcast %mul3A_975 : i32 to vector<16xi32>
        %mul3A_977 = arith.muli %min3A_962, %mul3A_976 : vector<16xi32>
        %add3A_978 = arith.addi %mul3A_974, %mul3A_977 : vector<16xi32>
        %add3A_979 = arith.addi %add3A_978, %min3A_971 : vector<16xi32>
        %add3A_980 = vector.broadcast %mul3A_20 : i32 to vector<16xi32>
        %add3A_981 = arith.addi %add3A_979, %add3A_980 : vector<16xi32>
        %mul3A_982 = arith.constant 16 : i32
        %mul3A_983 = arith.muli %add3A_912, %mul3A_982 : i32
        %add3A_984 = vector.broadcast %mul3A_983 : i32 to vector<16xi32>
        %add3A_985 = arith.addi %iota3A, %add3A_984 : vector<16xi32>
        %mul3A_986 = arith.constant 8 : i32
        %mul3A_987 = vector.broadcast %mul3A_986 : i32 to vector<16xi32>
        %mul3A_988 = arith.muli %add3A_985, %mul3A_987 : vector<16xi32>
        %add3A_989 = arith.constant 0 : i32
        %add3A_990 = vector.broadcast %add3A_989 : i32 to vector<16xi32>
        %add3A_991 = arith.addi %mul3A_988, %add3A_990 : vector<16xi32>
        tpu.vector_store_idx %arg10[%add3A_991], %add3A_981 : memref<128xi32, #tpu.memory_space<vmem>>[vector<16xi32>], vector<16xi32>,
        %add3A_992 = arith.constant 0 : i32
        %add3A_993 = vector.broadcast %add3A_992 : i32 to vector<16xi32>
        %add3A_994 = arith.addi %convert_element_type3A_926, %add3A_993 : vector<16xi32>
        %jit3A_995 = arith.constant 0 : i32
        %jit3A_996 = arith.constant 31 : i32
        %max3A_997 = vector.broadcast %jit3A_995 : i32 to vector<16xi32>
        %max3A_998 = arith.maxsi %max3A_997, %add3A_994 : vector<16xi32>
        %min3A_999 = vector.broadcast %jit3A_996 : i32 to vector<16xi32>
        %min3A_1000 = arith.minsi %min3A_999, %max3A_998 : vector<16xi32>
        %add3A_1001 = arith.constant 0 : i32
        %add3A_1002 = vector.broadcast %add3A_1001 : i32 to vector<16xi32>
        %add3A_1003 = arith.addi %convert_element_type3A_935, %add3A_1002 : vector<16xi32>
        %jit3A_1004 = arith.constant 0 : i32
        %jit3A_1005 = arith.constant 31 : i32
        %max3A_1006 = vector.broadcast %jit3A_1004 : i32 to vector<16xi32>
        %max3A_1007 = arith.maxsi %max3A_1006, %add3A_1003 : vector<16xi32>
        %min3A_1008 = vector.broadcast %jit3A_1005 : i32 to vector<16xi32>
        %min3A_1009 = arith.minsi %min3A_1008, %max3A_1007 : vector<16xi32>
        %add3A_1010 = arith.constant 1 : i32
        %add3A_1011 = vector.broadcast %add3A_1010 : i32 to vector<16xi32>
        %add3A_1012 = arith.addi %convert_element_type3A_944, %add3A_1011 : vector<16xi32>
        %jit3A_1013 = arith.constant 0 : i32
        %jit3A_1014 = arith.constant 31 : i32
        %max3A_1015 = vector.broadcast %jit3A_1013 : i32 to vector<16xi32>
        %max3A_1016 = arith.maxsi %max3A_1015, %add3A_1012 : vector<16xi32>
        %min3A_1017 = vector.broadcast %jit3A_1014 : i32 to vector<16xi32>
        %min3A_1018 = arith.minsi %min3A_1017, %max3A_1016 : vector<16xi32>
        %mul3A_1019 = arith.constant 1024 : i32
        %mul3A_1020 = vector.broadcast %mul3A_1019 : i32 to vector<16xi32>
        %mul3A_1021 = arith.muli %min3A_1000, %mul3A_1020 : vector<16xi32>
        %mul3A_1022 = arith.constant 32 : i32
        %mul3A_1023 = vector.broadcast %mul3A_1022 : i32 to vector<16xi32>
        %mul3A_1024 = arith.muli %min3A_1009, %mul3A_1023 : vector<16xi32>
        %add3A_1025 = arith.addi %mul3A_1021, %mul3A_1024 : vector<16xi32>
        %add3A_1026 = arith.addi %add3A_1025, %min3A_1018 : vector<16xi32>
        %add3A_1027 = vector.broadcast %mul3A_20 : i32 to vector<16xi32>
        %add3A_1028 = arith.addi %add3A_1026, %add3A_1027 : vector<16xi32>
        %mul3A_1029 = arith.constant 16 : i32
        %mul3A_1030 = arith.muli %add3A_912, %mul3A_1029 : i32
        %add3A_1031 = vector.broadcast %mul3A_1030 : i32 to vector<16xi32>
        %add3A_1032 = arith.addi %iota3A, %add3A_1031 : vector<16xi32>
        %mul3A_1033 = arith.constant 8 : i32
        %mul3A_1034 = vector.broadcast %mul3A_1033 : i32 to vector<16xi32>
        %mul3A_1035 = arith.muli %add3A_1032, %mul3A_1034 : vector<16xi32>
        %add3A_1036 = arith.constant 1 : i32
        %add3A_1037 = vector.broadcast %add3A_1036 : i32 to vector<16xi32>
        %add3A_1038 = arith.addi %mul3A_1035, %add3A_1037 : vector<16xi32>
        tpu.vector_store_idx %arg10[%add3A_1038], %add3A_1028 : memref<128xi32, #tpu.memory_space<vmem>>[vector<16xi32>], vector<16xi32>,
        %add3A_1039 = arith.constant 0 : i32
        %add3A_1040 = vector.broadcast %add3A_1039 : i32 to vector<16xi32>
        %add3A_1041 = arith.addi %convert_element_type3A_926, %add3A_1040 : vector<16xi32>
        %jit3A_1042 = arith.constant 0 : i32
        %jit3A_1043 = arith.constant 31 : i32
        %max3A_1044 = vector.broadcast %jit3A_1042 : i32 to vector<16xi32>
        %max3A_1045 = arith.maxsi %max3A_1044, %add3A_1041 : vector<16xi32>
        %min3A_1046 = vector.broadcast %jit3A_1043 : i32 to vector<16xi32>
        %min3A_1047 = arith.minsi %min3A_1046, %max3A_1045 : vector<16xi32>
        %add3A_1048 = arith.constant 1 : i32
        %add3A_1049 = vector.broadcast %add3A_1048 : i32 to vector<16xi32>
        %add3A_1050 = arith.addi %convert_element_type3A_935, %add3A_1049 : vector<16xi32>
        %jit3A_1051 = arith.constant 0 : i32
        %jit3A_1052 = arith.constant 31 : i32
        %max3A_1053 = vector.broadcast %jit3A_1051 : i32 to vector<16xi32>
        %max3A_1054 = arith.maxsi %max3A_1053, %add3A_1050 : vector<16xi32>
        %min3A_1055 = vector.broadcast %jit3A_1052 : i32 to vector<16xi32>
        %min3A_1056 = arith.minsi %min3A_1055, %max3A_1054 : vector<16xi32>
        %add3A_1057 = arith.constant 0 : i32
        %add3A_1058 = vector.broadcast %add3A_1057 : i32 to vector<16xi32>
        %add3A_1059 = arith.addi %convert_element_type3A_944, %add3A_1058 : vector<16xi32>
        %jit3A_1060 = arith.constant 0 : i32
        %jit3A_1061 = arith.constant 31 : i32
        %max3A_1062 = vector.broadcast %jit3A_1060 : i32 to vector<16xi32>
        %max3A_1063 = arith.maxsi %max3A_1062, %add3A_1059 : vector<16xi32>
        %min3A_1064 = vector.broadcast %jit3A_1061 : i32 to vector<16xi32>
        %min3A_1065 = arith.minsi %min3A_1064, %max3A_1063 : vector<16xi32>
        %mul3A_1066 = arith.constant 1024 : i32
        %mul3A_1067 = vector.broadcast %mul3A_1066 : i32 to vector<16xi32>
        %mul3A_1068 = arith.muli %min3A_1047, %mul3A_1067 : vector<16xi32>
        %mul3A_1069 = arith.constant 32 : i32
        %mul3A_1070 = vector.broadcast %mul3A_1069 : i32 to vector<16xi32>
        %mul3A_1071 = arith.muli %min3A_1056, %mul3A_1070 : vector<16xi32>
        %add3A_1072 = arith.addi %mul3A_1068, %mul3A_1071 : vector<16xi32>
        %add3A_1073 = arith.addi %add3A_1072, %min3A_1065 : vector<16xi32>
        %add3A_1074 = vector.broadcast %mul3A_20 : i32 to vector<16xi32>
        %add3A_1075 = arith.addi %add3A_1073, %add3A_1074 : vector<16xi32>
        %mul3A_1076 = arith.constant 16 : i32
        %mul3A_1077 = arith.muli %add3A_912, %mul3A_1076 : i32
        %add3A_1078 = vector.broadcast %mul3A_1077 : i32 to vector<16xi32>
        %add3A_1079 = arith.addi %iota3A, %add3A_1078 : vector<16xi32>
        %mul3A_1080 = arith.constant 8 : i32
        %mul3A_1081 = vector.broadcast %mul3A_1080 : i32 to vector<16xi32>
        %mul3A_1082 = arith.muli %add3A_1079, %mul3A_1081 : vector<16xi32>
        %add3A_1083 = arith.constant 2 : i32
        %add3A_1084 = vector.broadcast %add3A_1083 : i32 to vector<16xi32>
        %add3A_1085 = arith.addi %mul3A_1082, %add3A_1084 : vector<16xi32>
        tpu.vector_store_idx %arg10[%add3A_1085], %add3A_1075 : memref<128xi32, #tpu.memory_space<vmem>>[vector<16xi32>], vector<16xi32>,
        %add3A_1086 = arith.constant 0 : i32
        %add3A_1087 = vector.broadcast %add3A_1086 : i32 to vector<16xi32>
        %add3A_1088 = arith.addi %convert_element_type3A_926, %add3A_1087 : vector<16xi32>
        %jit3A_1089 = arith.constant 0 : i32
        %jit3A_1090 = arith.constant 31 : i32
        %max3A_1091 = vector.broadcast %jit3A_1089 : i32 to vector<16xi32>
        %max3A_1092 = arith.maxsi %max3A_1091, %add3A_1088 : vector<16xi32>
        %min3A_1093 = vector.broadcast %jit3A_1090 : i32 to vector<16xi32>
        %min3A_1094 = arith.minsi %min3A_1093, %max3A_1092 : vector<16xi32>
        %add3A_1095 = arith.constant 1 : i32
        %add3A_1096 = vector.broadcast %add3A_1095 : i32 to vector<16xi32>
        %add3A_1097 = arith.addi %convert_element_type3A_935, %add3A_1096 : vector<16xi32>
        %jit3A_1098 = arith.constant 0 : i32
        %jit3A_1099 = arith.constant 31 : i32
        %max3A_1100 = vector.broadcast %jit3A_1098 : i32 to vector<16xi32>
        %max3A_1101 = arith.maxsi %max3A_1100, %add3A_1097 : vector<16xi32>
        %min3A_1102 = vector.broadcast %jit3A_1099 : i32 to vector<16xi32>
        %min3A_1103 = arith.minsi %min3A_1102, %max3A_1101 : vector<16xi32>
        %add3A_1104 = arith.constant 1 : i32
        %add3A_1105 = vector.broadcast %add3A_1104 : i32 to vector<16xi32>
        %add3A_1106 = arith.addi %convert_element_type3A_944, %add3A_1105 : vector<16xi32>
        %jit3A_1107 = arith.constant 0 : i32
        %jit3A_1108 = arith.constant 31 : i32
        %max3A_1109 = vector.broadcast %jit3A_1107 : i32 to vector<16xi32>
        %max3A_1110 = arith.maxsi %max3A_1109, %add3A_1106 : vector<16xi32>
        %min3A_1111 = vector.broadcast %jit3A_1108 : i32 to vector<16xi32>
        %min3A_1112 = arith.minsi %min3A_1111, %max3A_1110 : vector<16xi32>
        %mul3A_1113 = arith.constant 1024 : i32
        %mul3A_1114 = vector.broadcast %mul3A_1113 : i32 to vector<16xi32>
        %mul3A_1115 = arith.muli %min3A_1094, %mul3A_1114 : vector<16xi32>
        %mul3A_1116 = arith.constant 32 : i32
        %mul3A_1117 = vector.broadcast %mul3A_1116 : i32 to vector<16xi32>
        %mul3A_1118 = arith.muli %min3A_1103, %mul3A_1117 : vector<16xi32>
        %add3A_1119 = arith.addi %mul3A_1115, %mul3A_1118 : vector<16xi32>
        %add3A_1120 = arith.addi %add3A_1119, %min3A_1112 : vector<16xi32>
        %add3A_1121 = vector.broadcast %mul3A_20 : i32 to vector<16xi32>
        %add3A_1122 = arith.addi %add3A_1120, %add3A_1121 : vector<16xi32>
        %mul3A_1123 = arith.constant 16 : i32
        %mul3A_1124 = arith.muli %add3A_912, %mul3A_1123 : i32
        %add3A_1125 = vector.broadcast %mul3A_1124 : i32 to vector<16xi32>
        %add3A_1126 = arith.addi %iota3A, %add3A_1125 : vector<16xi32>
        %mul3A_1127 = arith.constant 8 : i32
        %mul3A_1128 = vector.broadcast %mul3A_1127 : i32 to vector<16xi32>
        %mul3A_1129 = arith.muli %add3A_1126, %mul3A_1128 : vector<16xi32>
        %add3A_1130 = arith.constant 3 : i32
        %add3A_1131 = vector.broadcast %add3A_1130 : i32 to vector<16xi32>
        %add3A_1132 = arith.addi %mul3A_1129, %add3A_1131 : vector<16xi32>
        tpu.vector_store_idx %arg10[%add3A_1132], %add3A_1122 : memref<128xi32, #tpu.memory_space<vmem>>[vector<16xi32>], vector<16xi32>,
        %add3A_1133 = arith.constant 1 : i32
        %add3A_1134 = vector.broadcast %add3A_1133 : i32 to vector<16xi32>
        %add3A_1135 = arith.addi %convert_element_type3A_926, %add3A_1134 : vector<16xi32>
        %jit3A_1136 = arith.constant 0 : i32
        %jit3A_1137 = arith.constant 31 : i32
        %max3A_1138 = vector.broadcast %jit3A_1136 : i32 to vector<16xi32>
        %max3A_1139 = arith.maxsi %max3A_1138, %add3A_1135 : vector<16xi32>
        %min3A_1140 = vector.broadcast %jit3A_1137 : i32 to vector<16xi32>
        %min3A_1141 = arith.minsi %min3A_1140, %max3A_1139 : vector<16xi32>
        %add3A_1142 = arith.constant 0 : i32
        %add3A_1143 = vector.broadcast %add3A_1142 : i32 to vector<16xi32>
        %add3A_1144 = arith.addi %convert_element_type3A_935, %add3A_1143 : vector<16xi32>
        %jit3A_1145 = arith.constant 0 : i32
        %jit3A_1146 = arith.constant 31 : i32
        %max3A_1147 = vector.broadcast %jit3A_1145 : i32 to vector<16xi32>
        %max3A_1148 = arith.maxsi %max3A_1147, %add3A_1144 : vector<16xi32>
        %min3A_1149 = vector.broadcast %jit3A_1146 : i32 to vector<16xi32>
        %min3A_1150 = arith.minsi %min3A_1149, %max3A_1148 : vector<16xi32>
        %add3A_1151 = arith.constant 0 : i32
        %add3A_1152 = vector.broadcast %add3A_1151 : i32 to vector<16xi32>
        %add3A_1153 = arith.addi %convert_element_type3A_944, %add3A_1152 : vector<16xi32>
        %jit3A_1154 = arith.constant 0 : i32
        %jit3A_1155 = arith.constant 31 : i32
        %max3A_1156 = vector.broadcast %jit3A_1154 : i32 to vector<16xi32>
        %max3A_1157 = arith.maxsi %max3A_1156, %add3A_1153 : vector<16xi32>
        %min3A_1158 = vector.broadcast %jit3A_1155 : i32 to vector<16xi32>
        %min3A_1159 = arith.minsi %min3A_1158, %max3A_1157 : vector<16xi32>
        %mul3A_1160 = arith.constant 1024 : i32
        %mul3A_1161 = vector.broadcast %mul3A_1160 : i32 to vector<16xi32>
        %mul3A_1162 = arith.muli %min3A_1141, %mul3A_1161 : vector<16xi32>
        %mul3A_1163 = arith.constant 32 : i32
        %mul3A_1164 = vector.broadcast %mul3A_1163 : i32 to vector<16xi32>
        %mul3A_1165 = arith.muli %min3A_1150, %mul3A_1164 : vector<16xi32>
        %add3A_1166 = arith.addi %mul3A_1162, %mul3A_1165 : vector<16xi32>
        %add3A_1167 = arith.addi %add3A_1166, %min3A_1159 : vector<16xi32>
        %add3A_1168 = vector.broadcast %mul3A_20 : i32 to vector<16xi32>
        %add3A_1169 = arith.addi %add3A_1167, %add3A_1168 : vector<16xi32>
        %mul3A_1170 = arith.constant 16 : i32
        %mul3A_1171 = arith.muli %add3A_912, %mul3A_1170 : i32
        %add3A_1172 = vector.broadcast %mul3A_1171 : i32 to vector<16xi32>
        %add3A_1173 = arith.addi %iota3A, %add3A_1172 : vector<16xi32>
        %mul3A_1174 = arith.constant 8 : i32
        %mul3A_1175 = vector.broadcast %mul3A_1174 : i32 to vector<16xi32>
        %mul3A_1176 = arith.muli %add3A_1173, %mul3A_1175 : vector<16xi32>
        %add3A_1177 = arith.constant 4 : i32
        %add3A_1178 = vector.broadcast %add3A_1177 : i32 to vector<16xi32>
        %add3A_1179 = arith.addi %mul3A_1176, %add3A_1178 : vector<16xi32>
        tpu.vector_store_idx %arg10[%add3A_1179], %add3A_1169 : memref<128xi32, #tpu.memory_space<vmem>>[vector<16xi32>], vector<16xi32>,
        %add3A_1180 = arith.constant 1 : i32
        %add3A_1181 = vector.broadcast %add3A_1180 : i32 to vector<16xi32>
        %add3A_1182 = arith.addi %convert_element_type3A_926, %add3A_1181 : vector<16xi32>
        %jit3A_1183 = arith.constant 0 : i32
        %jit3A_1184 = arith.constant 31 : i32
        %max3A_1185 = vector.broadcast %jit3A_1183 : i32 to vector<16xi32>
        %max3A_1186 = arith.maxsi %max3A_1185, %add3A_1182 : vector<16xi32>
        %min3A_1187 = vector.broadcast %jit3A_1184 : i32 to vector<16xi32>
        %min3A_1188 = arith.minsi %min3A_1187, %max3A_1186 : vector<16xi32>
        %add3A_1189 = arith.constant 0 : i32
        %add3A_1190 = vector.broadcast %add3A_1189 : i32 to vector<16xi32>
        %add3A_1191 = arith.addi %convert_element_type3A_935, %add3A_1190 : vector<16xi32>
        %jit3A_1192 = arith.constant 0 : i32
        %jit3A_1193 = arith.constant 31 : i32
        %max3A_1194 = vector.broadcast %jit3A_1192 : i32 to vector<16xi32>
        %max3A_1195 = arith.maxsi %max3A_1194, %add3A_1191 : vector<16xi32>
        %min3A_1196 = vector.broadcast %jit3A_1193 : i32 to vector<16xi32>
        %min3A_1197 = arith.minsi %min3A_1196, %max3A_1195 : vector<16xi32>
        %add3A_1198 = arith.constant 1 : i32
        %add3A_1199 = vector.broadcast %add3A_1198 : i32 to vector<16xi32>
        %add3A_1200 = arith.addi %convert_element_type3A_944, %add3A_1199 : vector<16xi32>
        %jit3A_1201 = arith.constant 0 : i32
        %jit3A_1202 = arith.constant 31 : i32
        %max3A_1203 = vector.broadcast %jit3A_1201 : i32 to vector<16xi32>
        %max3A_1204 = arith.maxsi %max3A_1203, %add3A_1200 : vector<16xi32>
        %min3A_1205 = vector.broadcast %jit3A_1202 : i32 to vector<16xi32>
        %min3A_1206 = arith.minsi %min3A_1205, %max3A_1204 : vector<16xi32>
        %mul3A_1207 = arith.constant 1024 : i32
        %mul3A_1208 = vector.broadcast %mul3A_1207 : i32 to vector<16xi32>
        %mul3A_1209 = arith.muli %min3A_1188, %mul3A_1208 : vector<16xi32>
        %mul3A_1210 = arith.constant 32 : i32
        %mul3A_1211 = vector.broadcast %mul3A_1210 : i32 to vector<16xi32>
        %mul3A_1212 = arith.muli %min3A_1197, %mul3A_1211 : vector<16xi32>
        %add3A_1213 = arith.addi %mul3A_1209, %mul3A_1212 : vector<16xi32>
        %add3A_1214 = arith.addi %add3A_1213, %min3A_1206 : vector<16xi32>
        %add3A_1215 = vector.broadcast %mul3A_20 : i32 to vector<16xi32>
        %add3A_1216 = arith.addi %add3A_1214, %add3A_1215 : vector<16xi32>
        %mul3A_1217 = arith.constant 16 : i32
        %mul3A_1218 = arith.muli %add3A_912, %mul3A_1217 : i32
        %add3A_1219 = vector.broadcast %mul3A_1218 : i32 to vector<16xi32>
        %add3A_1220 = arith.addi %iota3A, %add3A_1219 : vector<16xi32>
        %mul3A_1221 = arith.constant 8 : i32
        %mul3A_1222 = vector.broadcast %mul3A_1221 : i32 to vector<16xi32>
        %mul3A_1223 = arith.muli %add3A_1220, %mul3A_1222 : vector<16xi32>
        %add3A_1224 = arith.constant 5 : i32
        %add3A_1225 = vector.broadcast %add3A_1224 : i32 to vector<16xi32>
        %add3A_1226 = arith.addi %mul3A_1223, %add3A_1225 : vector<16xi32>
        tpu.vector_store_idx %arg10[%add3A_1226], %add3A_1216 : memref<128xi32, #tpu.memory_space<vmem>>[vector<16xi32>], vector<16xi32>,
        %add3A_1227 = arith.constant 1 : i32
        %add3A_1228 = vector.broadcast %add3A_1227 : i32 to vector<16xi32>
        %add3A_1229 = arith.addi %convert_element_type3A_926, %add3A_1228 : vector<16xi32>
        %jit3A_1230 = arith.constant 0 : i32
        %jit3A_1231 = arith.constant 31 : i32
        %max3A_1232 = vector.broadcast %jit3A_1230 : i32 to vector<16xi32>
        %max3A_1233 = arith.maxsi %max3A_1232, %add3A_1229 : vector<16xi32>
        %min3A_1234 = vector.broadcast %jit3A_1231 : i32 to vector<16xi32>
        %min3A_1235 = arith.minsi %min3A_1234, %max3A_1233 : vector<16xi32>
        %add3A_1236 = arith.constant 1 : i32
        %add3A_1237 = vector.broadcast %add3A_1236 : i32 to vector<16xi32>
        %add3A_1238 = arith.addi %convert_element_type3A_935, %add3A_1237 : vector<16xi32>
        %jit3A_1239 = arith.constant 0 : i32
        %jit3A_1240 = arith.constant 31 : i32
        %max3A_1241 = vector.broadcast %jit3A_1239 : i32 to vector<16xi32>
        %max3A_1242 = arith.maxsi %max3A_1241, %add3A_1238 : vector<16xi32>
        %min3A_1243 = vector.broadcast %jit3A_1240 : i32 to vector<16xi32>
        %min3A_1244 = arith.minsi %min3A_1243, %max3A_1242 : vector<16xi32>
        %add3A_1245 = arith.constant 0 : i32
        %add3A_1246 = vector.broadcast %add3A_1245 : i32 to vector<16xi32>
        %add3A_1247 = arith.addi %convert_element_type3A_944, %add3A_1246 : vector<16xi32>
        %jit3A_1248 = arith.constant 0 : i32
        %jit3A_1249 = arith.constant 31 : i32
        %max3A_1250 = vector.broadcast %jit3A_1248 : i32 to vector<16xi32>
        %max3A_1251 = arith.maxsi %max3A_1250, %add3A_1247 : vector<16xi32>
        %min3A_1252 = vector.broadcast %jit3A_1249 : i32 to vector<16xi32>
        %min3A_1253 = arith.minsi %min3A_1252, %max3A_1251 : vector<16xi32>
        %mul3A_1254 = arith.constant 1024 : i32
        %mul3A_1255 = vector.broadcast %mul3A_1254 : i32 to vector<16xi32>
        %mul3A_1256 = arith.muli %min3A_1235, %mul3A_1255 : vector<16xi32>
        %mul3A_1257 = arith.constant 32 : i32
        %mul3A_1258 = vector.broadcast %mul3A_1257 : i32 to vector<16xi32>
        %mul3A_1259 = arith.muli %min3A_1244, %mul3A_1258 : vector<16xi32>
        %add3A_1260 = arith.addi %mul3A_1256, %mul3A_1259 : vector<16xi32>
        %add3A_1261 = arith.addi %add3A_1260, %min3A_1253 : vector<16xi32>
        %add3A_1262 = vector.broadcast %mul3A_20 : i32 to vector<16xi32>
        %add3A_1263 = arith.addi %add3A_1261, %add3A_1262 : vector<16xi32>
        %mul3A_1264 = arith.constant 16 : i32
        %mul3A_1265 = arith.muli %add3A_912, %mul3A_1264 : i32
        %add3A_1266 = vector.broadcast %mul3A_1265 : i32 to vector<16xi32>
        %add3A_1267 = arith.addi %iota3A, %add3A_1266 : vector<16xi32>
        %mul3A_1268 = arith.constant 8 : i32
        %mul3A_1269 = vector.broadcast %mul3A_1268 : i32 to vector<16xi32>
        %mul3A_1270 = arith.muli %add3A_1267, %mul3A_1269 : vector<16xi32>
        %add3A_1271 = arith.constant 6 : i32
        %add3A_1272 = vector.broadcast %add3A_1271 : i32 to vector<16xi32>
        %add3A_1273 = arith.addi %mul3A_1270, %add3A_1272 : vector<16xi32>
        tpu.vector_store_idx %arg10[%add3A_1273], %add3A_1263 : memref<128xi32, #tpu.memory_space<vmem>>[vector<16xi32>], vector<16xi32>,
        %add3A_1274 = arith.constant 1 : i32
        %add3A_1275 = vector.broadcast %add3A_1274 : i32 to vector<16xi32>
        %add3A_1276 = arith.addi %convert_element_type3A_926, %add3A_1275 : vector<16xi32>
        %jit3A_1277 = arith.constant 0 : i32
        %jit3A_1278 = arith.constant 31 : i32
        %max3A_1279 = vector.broadcast %jit3A_1277 : i32 to vector<16xi32>
        %max3A_1280 = arith.maxsi %max3A_1279, %add3A_1276 : vector<16xi32>
        %min3A_1281 = vector.broadcast %jit3A_1278 : i32 to vector<16xi32>
        %min3A_1282 = arith.minsi %min3A_1281, %max3A_1280 : vector<16xi32>
        %add3A_1283 = arith.constant 1 : i32
        %add3A_1284 = vector.broadcast %add3A_1283 : i32 to vector<16xi32>
        %add3A_1285 = arith.addi %convert_element_type3A_935, %add3A_1284 : vector<16xi32>
        %jit3A_1286 = arith.constant 0 : i32
        %jit3A_1287 = arith.constant 31 : i32
        %max3A_1288 = vector.broadcast %jit3A_1286 : i32 to vector<16xi32>
        %max3A_1289 = arith.maxsi %max3A_1288, %add3A_1285 : vector<16xi32>
        %min3A_1290 = vector.broadcast %jit3A_1287 : i32 to vector<16xi32>
        %min3A_1291 = arith.minsi %min3A_1290, %max3A_1289 : vector<16xi32>
        %add3A_1292 = arith.constant 1 : i32
        %add3A_1293 = vector.broadcast %add3A_1292 : i32 to vector<16xi32>
        %add3A_1294 = arith.addi %convert_element_type3A_944, %add3A_1293 : vector<16xi32>
        %jit3A_1295 = arith.constant 0 : i32
        %jit3A_1296 = arith.constant 31 : i32
        %max3A_1297 = vector.broadcast %jit3A_1295 : i32 to vector<16xi32>
        %max3A_1298 = arith.maxsi %max3A_1297, %add3A_1294 : vector<16xi32>
        %min3A_1299 = vector.broadcast %jit3A_1296 : i32 to vector<16xi32>
        %min3A_1300 = arith.minsi %min3A_1299, %max3A_1298 : vector<16xi32>
        %mul3A_1301 = arith.constant 1024 : i32
        %mul3A_1302 = vector.broadcast %mul3A_1301 : i32 to vector<16xi32>
        %mul3A_1303 = arith.muli %min3A_1282, %mul3A_1302 : vector<16xi32>
        %mul3A_1304 = arith.constant 32 : i32
        %mul3A_1305 = vector.broadcast %mul3A_1304 : i32 to vector<16xi32>
        %mul3A_1306 = arith.muli %min3A_1291, %mul3A_1305 : vector<16xi32>
        %add3A_1307 = arith.addi %mul3A_1303, %mul3A_1306 : vector<16xi32>
        %add3A_1308 = arith.addi %add3A_1307, %min3A_1300 : vector<16xi32>
        %add3A_1309 = vector.broadcast %mul3A_20 : i32 to vector<16xi32>
        %add3A_1310 = arith.addi %add3A_1308, %add3A_1309 : vector<16xi32>
        %mul3A_1311 = arith.constant 16 : i32
        %mul3A_1312 = arith.muli %add3A_912, %mul3A_1311 : i32
        %add3A_1313 = vector.broadcast %mul3A_1312 : i32 to vector<16xi32>
        %add3A_1314 = arith.addi %iota3A, %add3A_1313 : vector<16xi32>
        %mul3A_1315 = arith.constant 8 : i32
        %mul3A_1316 = vector.broadcast %mul3A_1315 : i32 to vector<16xi32>
        %mul3A_1317 = arith.muli %add3A_1314, %mul3A_1316 : vector<16xi32>
        %add3A_1318 = arith.constant 7 : i32
        %add3A_1319 = vector.broadcast %add3A_1318 : i32 to vector<16xi32>
        %add3A_1320 = arith.addi %mul3A_1317, %add3A_1319 : vector<16xi32>
        tpu.vector_store_idx %arg10[%add3A_1320], %add3A_1310 : memref<128xi32, #tpu.memory_space<vmem>>[vector<16xi32>], vector<16xi32>,
        %scan3A_1321 = arith.constant 1 : i32
        %dma_start3A_1322 = arith.constant 0 : i32
        %dma_start3A_1323 = arith.constant 0 : i32
        %dma_start3A_1324 = tpu.memref_slice %arg2[%dma_start3A_1322, %dma_start3A_1323] : memref<65536x256xf32, #tpu.memory_space<hbm>> -> memref<65536x256xf32, #tpu.memory_space<hbm>>
        tpu.enqueue_indirect_dma source(%dma_start3A_1324 : memref<65536x256xf32, #tpu.memory_space<hbm>>) target(%arg12 : memref<128x256xf32, #tpu.memory_space<vmem>>) offsets(%arg10 : memref<128xi32, #tpu.memory_space<vmem>>) semaphore(%arg14 : memref<!tpu.dma_semaphore, #tpu.memory_space<semaphore_mem>>)
      } else {
      }
      %add3A_892 = arith.constant 1 : i32
      %add3A_893 = arith.addi %mul3A_860, %add3A_892 : i32
      %mul3A_894 = arith.constant 128 : i32
      %mul3A_895 = arith.muli %add3A_893, %mul3A_894 : i32
      %add3A_896 = arith.addi %mul3A_22, %mul3A_895 : i32
      %dma_wait3A_897 = arith.constant 0 : i32
      %dma_wait3A_898 = tpu.memref_slice %arg6[%add3A_896, %dma_wait3A_897] : memref<262144x256xf32, #tpu.memory_space<hbm>> -> memref<128x256xf32, #tpu.memory_space<hbm>>
      %dma_wait3A_899 = arith.constant 0 : i32
      %dma_wait3A_900 = tpu.memref_slice %arg6[%add3A_896, %dma_wait3A_899] : memref<262144x256xf32, #tpu.memory_space<hbm>> -> memref<128x256xf32, #tpu.memory_space<hbm>>
      tpu.wait_dma2 semaphore(%arg17 : memref<!tpu.dma_semaphore, #tpu.memory_space<semaphore_mem>>) src(%arg13 : memref<128x256xf32, #tpu.memory_space<vmem>>) dst(%dma_wait3A_900 : memref<128x256xf32, #tpu.memory_space<hbm>>)
      %lt3A_901 = arith.constant 31 : i32
      %lt3A_902 = arith.cmpi slt, %add3A_858, %lt3A_901 : i32
      %convert_element_type3A_903 = arith.extui %lt3A_902 : i1 to i32
      %cond3A_904 = arith.constant 0 : i32
      %cond3A_905 = arith.cmpi ne, %convert_element_type3A_903, %cond3A_904 : i32
      scf.if %cond3A_905 {
        %add3A_906 = arith.constant 3 : i32
        %add3A_907 = arith.addi %mul3A_860, %add3A_906 : i32
        %scan3A_908 = arith.constant 0 : i32
        %mul3A_909 = arith.constant 1 : i32
        %mul3A_910 = arith.muli %scan3A_908, %mul3A_909 : i32
        %add3A_911 = arith.constant 0 : i32
        %add3A_912 = arith.addi %add3A_911, %mul3A_910 : i32
        %mul3A_913 = arith.constant 16 : i32
        %mul3A_914 = arith.muli %add3A_907, %mul3A_913 : i32
        %mul3A_915 = arith.constant 16 : i32
        %mul3A_916 = arith.muli %add3A_912, %mul3A_915 : i32
        %add3A_917 = arith.addi %mul3A_914, %mul3A_916 : i32
        %get3A_918 = arith.index_cast %add3A_917 : i32 to index
        %get3A_919 = tpu.vector_load %arg7[%get3A_918] {strides = array<i32>} : memref<1024xf32, #tpu.memory_space<vmem>>, vector<16xf32>,
        %add3A_920 = arith.constant 1.000000e+00 : f32
        %add3A_921 = vector.broadcast %add3A_920 : f32 to vector<16xf32>
        %add3A_922 = arith.addf %get3A_919, %add3A_921 : vector<16xf32>
        %mul3A_923 = arith.constant 1.550000e+01 : f32
        %mul3A_924 = vector.broadcast %mul3A_923 : f32 to vector<16xf32>
        %mul3A_925 = arith.mulf %add3A_922, %mul3A_924 : vector<16xf32>
        %convert_element_type3A_926 = arith.fptosi %mul3A_925 : vector<16xf32> to vector<16xi32>
        %get3A_927 = arith.index_cast %add3A_917 : i32 to index
        %get3A_928 = tpu.vector_load %arg8[%get3A_927] {strides = array<i32>} : memref<1024xf32, #tpu.memory_space<vmem>>, vector<16xf32>,
        %add3A_929 = arith.constant 1.000000e+00 : f32
        %add3A_930 = vector.broadcast %add3A_929 : f32 to vector<16xf32>
        %add3A_931 = arith.addf %get3A_928, %add3A_930 : vector<16xf32>
        %mul3A_932 = arith.constant 1.550000e+01 : f32
        %mul3A_933 = vector.broadcast %mul3A_932 : f32 to vector<16xf32>
        %mul3A_934 = arith.mulf %add3A_931, %mul3A_933 : vector<16xf32>
        %convert_element_type3A_935 = arith.fptosi %mul3A_934 : vector<16xf32> to vector<16xi32>
        %get3A_936 = arith.index_cast %add3A_917 : i32 to index
        %get3A_937 = tpu.vector_load %arg9[%get3A_936] {strides = array<i32>} : memref<1024xf32, #tpu.memory_space<vmem>>, vector<16xf32>,
        %add3A_938 = arith.constant 1.000000e+00 : f32
        %add3A_939 = vector.broadcast %add3A_938 : f32 to vector<16xf32>
        %add3A_940 = arith.addf %get3A_937, %add3A_939 : vector<16xf32>
        %mul3A_941 = arith.constant 1.550000e+01 : f32
        %mul3A_942 = vector.broadcast %mul3A_941 : f32 to vector<16xf32>
        %mul3A_943 = arith.mulf %add3A_940, %mul3A_942 : vector<16xf32>
        %convert_element_type3A_944 = arith.fptosi %mul3A_943 : vector<16xf32> to vector<16xi32>
        %add3A_945 = arith.constant 0 : i32
        %add3A_946 = vector.broadcast %add3A_945 : i32 to vector<16xi32>
        %add3A_947 = arith.addi %convert_element_type3A_926, %add3A_946 : vector<16xi32>
        %jit3A_948 = arith.constant 0 : i32
        %jit3A_949 = arith.constant 31 : i32
        %max3A_950 = vector.broadcast %jit3A_948 : i32 to vector<16xi32>
        %max3A_951 = arith.maxsi %max3A_950, %add3A_947 : vector<16xi32>
        %min3A_952 = vector.broadcast %jit3A_949 : i32 to vector<16xi32>
        %min3A_953 = arith.minsi %min3A_952, %max3A_951 : vector<16xi32>
        %add3A_954 = arith.constant 0 : i32
        %add3A_955 = vector.broadcast %add3A_954 : i32 to vector<16xi32>
        %add3A_956 = arith.addi %convert_element_type3A_935, %add3A_955 : vector<16xi32>
        %jit3A_957 = arith.constant 0 : i32
        %jit3A_958 = arith.constant 31 : i32
        %max3A_959 = vector.broadcast %jit3A_957 : i32 to vector<16xi32>
        %max3A_960 = arith.maxsi %max3A_959, %add3A_956 : vector<16xi32>
        %min3A_961 = vector.broadcast %jit3A_958 : i32 to vector<16xi32>
        %min3A_962 = arith.minsi %min3A_961, %max3A_960 : vector<16xi32>
        %add3A_963 = arith.constant 0 : i32
        %add3A_964 = vector.broadcast %add3A_963 : i32 to vector<16xi32>
        %add3A_965 = arith.addi %convert_element_type3A_944, %add3A_964 : vector<16xi32>
        %jit3A_966 = arith.constant 0 : i32
        %jit3A_967 = arith.constant 31 : i32
        %max3A_968 = vector.broadcast %jit3A_966 : i32 to vector<16xi32>
        %max3A_969 = arith.maxsi %max3A_968, %add3A_965 : vector<16xi32>
        %min3A_970 = vector.broadcast %jit3A_967 : i32 to vector<16xi32>
        %min3A_971 = arith.minsi %min3A_970, %max3A_969 : vector<16xi32>
        %mul3A_972 = arith.constant 1024 : i32
        %mul3A_973 = vector.broadcast %mul3A_972 : i32 to vector<16xi32>
        %mul3A_974 = arith.muli %min3A_953, %mul3A_973 : vector<16xi32>
        %mul3A_975 = arith.constant 32 : i32
        %mul3A_976 = vector.broadcast %mul3A_975 : i32 to vector<16xi32>
        %mul3A_977 = arith.muli %min3A_962, %mul3A_976 : vector<16xi32>
        %add3A_978 = arith.addi %mul3A_974, %mul3A_977 : vector<16xi32>
        %add3A_979 = arith.addi %add3A_978, %min3A_971 : vector<16xi32>
        %add3A_980 = vector.broadcast %mul3A_20 : i32 to vector<16xi32>
        %add3A_981 = arith.addi %add3A_979, %add3A_980 : vector<16xi32>
        %mul3A_982 = arith.constant 16 : i32
        %mul3A_983 = arith.muli %add3A_912, %mul3A_982 : i32
        %add3A_984 = vector.broadcast %mul3A_983 : i32 to vector<16xi32>
        %add3A_985 = arith.addi %iota3A, %add3A_984 : vector<16xi32>
        %mul3A_986 = arith.constant 8 : i32
        %mul3A_987 = vector.broadcast %mul3A_986 : i32 to vector<16xi32>
        %mul3A_988 = arith.muli %add3A_985, %mul3A_987 : vector<16xi32>
        %add3A_989 = arith.constant 0 : i32
        %add3A_990 = vector.broadcast %add3A_989 : i32 to vector<16xi32>
        %add3A_991 = arith.addi %mul3A_988, %add3A_990 : vector<16xi32>
        tpu.vector_store_idx %arg11[%add3A_991], %add3A_981 : memref<128xi32, #tpu.memory_space<vmem>>[vector<16xi32>], vector<16xi32>,
        %add3A_992 = arith.constant 0 : i32
        %add3A_993 = vector.broadcast %add3A_992 : i32 to vector<16xi32>
        %add3A_994 = arith.addi %convert_element_type3A_926, %add3A_993 : vector<16xi32>
        %jit3A_995 = arith.constant 0 : i32
        %jit3A_996 = arith.constant 31 : i32
        %max3A_997 = vector.broadcast %jit3A_995 : i32 to vector<16xi32>
        %max3A_998 = arith.maxsi %max3A_997, %add3A_994 : vector<16xi32>
        %min3A_999 = vector.broadcast %jit3A_996 : i32 to vector<16xi32>
        %min3A_1000 = arith.minsi %min3A_999, %max3A_998 : vector<16xi32>
        %add3A_1001 = arith.constant 0 : i32
        %add3A_1002 = vector.broadcast %add3A_1001 : i32 to vector<16xi32>
        %add3A_1003 = arith.addi %convert_element_type3A_935, %add3A_1002 : vector<16xi32>
        %jit3A_1004 = arith.constant 0 : i32
        %jit3A_1005 = arith.constant 31 : i32
        %max3A_1006 = vector.broadcast %jit3A_1004 : i32 to vector<16xi32>
        %max3A_1007 = arith.maxsi %max3A_1006, %add3A_1003 : vector<16xi32>
        %min3A_1008 = vector.broadcast %jit3A_1005 : i32 to vector<16xi32>
        %min3A_1009 = arith.minsi %min3A_1008, %max3A_1007 : vector<16xi32>
        %add3A_1010 = arith.constant 1 : i32
        %add3A_1011 = vector.broadcast %add3A_1010 : i32 to vector<16xi32>
        %add3A_1012 = arith.addi %convert_element_type3A_944, %add3A_1011 : vector<16xi32>
        %jit3A_1013 = arith.constant 0 : i32
        %jit3A_1014 = arith.constant 31 : i32
        %max3A_1015 = vector.broadcast %jit3A_1013 : i32 to vector<16xi32>
        %max3A_1016 = arith.maxsi %max3A_1015, %add3A_1012 : vector<16xi32>
        %min3A_1017 = vector.broadcast %jit3A_1014 : i32 to vector<16xi32>
        %min3A_1018 = arith.minsi %min3A_1017, %max3A_1016 : vector<16xi32>
        %mul3A_1019 = arith.constant 1024 : i32
        %mul3A_1020 = vector.broadcast %mul3A_1019 : i32 to vector<16xi32>
        %mul3A_1021 = arith.muli %min3A_1000, %mul3A_1020 : vector<16xi32>
        %mul3A_1022 = arith.constant 32 : i32
        %mul3A_1023 = vector.broadcast %mul3A_1022 : i32 to vector<16xi32>
        %mul3A_1024 = arith.muli %min3A_1009, %mul3A_1023 : vector<16xi32>
        %add3A_1025 = arith.addi %mul3A_1021, %mul3A_1024 : vector<16xi32>
        %add3A_1026 = arith.addi %add3A_1025, %min3A_1018 : vector<16xi32>
        %add3A_1027 = vector.broadcast %mul3A_20 : i32 to vector<16xi32>
        %add3A_1028 = arith.addi %add3A_1026, %add3A_1027 : vector<16xi32>
        %mul3A_1029 = arith.constant 16 : i32
        %mul3A_1030 = arith.muli %add3A_912, %mul3A_1029 : i32
        %add3A_1031 = vector.broadcast %mul3A_1030 : i32 to vector<16xi32>
        %add3A_1032 = arith.addi %iota3A, %add3A_1031 : vector<16xi32>
        %mul3A_1033 = arith.constant 8 : i32
        %mul3A_1034 = vector.broadcast %mul3A_1033 : i32 to vector<16xi32>
        %mul3A_1035 = arith.muli %add3A_1032, %mul3A_1034 : vector<16xi32>
        %add3A_1036 = arith.constant 1 : i32
        %add3A_1037 = vector.broadcast %add3A_1036 : i32 to vector<16xi32>
        %add3A_1038 = arith.addi %mul3A_1035, %add3A_1037 : vector<16xi32>
        tpu.vector_store_idx %arg11[%add3A_1038], %add3A_1028 : memref<128xi32, #tpu.memory_space<vmem>>[vector<16xi32>], vector<16xi32>,
        %add3A_1039 = arith.constant 0 : i32
        %add3A_1040 = vector.broadcast %add3A_1039 : i32 to vector<16xi32>
        %add3A_1041 = arith.addi %convert_element_type3A_926, %add3A_1040 : vector<16xi32>
        %jit3A_1042 = arith.constant 0 : i32
        %jit3A_1043 = arith.constant 31 : i32
        %max3A_1044 = vector.broadcast %jit3A_1042 : i32 to vector<16xi32>
        %max3A_1045 = arith.maxsi %max3A_1044, %add3A_1041 : vector<16xi32>
        %min3A_1046 = vector.broadcast %jit3A_1043 : i32 to vector<16xi32>
        %min3A_1047 = arith.minsi %min3A_1046, %max3A_1045 : vector<16xi32>
        %add3A_1048 = arith.constant 1 : i32
        %add3A_1049 = vector.broadcast %add3A_1048 : i32 to vector<16xi32>
        %add3A_1050 = arith.addi %convert_element_type3A_935, %add3A_1049 : vector<16xi32>
        %jit3A_1051 = arith.constant 0 : i32
        %jit3A_1052 = arith.constant 31 : i32
        %max3A_1053 = vector.broadcast %jit3A_1051 : i32 to vector<16xi32>
        %max3A_1054 = arith.maxsi %max3A_1053, %add3A_1050 : vector<16xi32>
        %min3A_1055 = vector.broadcast %jit3A_1052 : i32 to vector<16xi32>
        %min3A_1056 = arith.minsi %min3A_1055, %max3A_1054 : vector<16xi32>
        %add3A_1057 = arith.constant 0 : i32
        %add3A_1058 = vector.broadcast %add3A_1057 : i32 to vector<16xi32>
        %add3A_1059 = arith.addi %convert_element_type3A_944, %add3A_1058 : vector<16xi32>
        %jit3A_1060 = arith.constant 0 : i32
        %jit3A_1061 = arith.constant 31 : i32
        %max3A_1062 = vector.broadcast %jit3A_1060 : i32 to vector<16xi32>
        %max3A_1063 = arith.maxsi %max3A_1062, %add3A_1059 : vector<16xi32>
        %min3A_1064 = vector.broadcast %jit3A_1061 : i32 to vector<16xi32>
        %min3A_1065 = arith.minsi %min3A_1064, %max3A_1063 : vector<16xi32>
        %mul3A_1066 = arith.constant 1024 : i32
        %mul3A_1067 = vector.broadcast %mul3A_1066 : i32 to vector<16xi32>
        %mul3A_1068 = arith.muli %min3A_1047, %mul3A_1067 : vector<16xi32>
        %mul3A_1069 = arith.constant 32 : i32
        %mul3A_1070 = vector.broadcast %mul3A_1069 : i32 to vector<16xi32>
        %mul3A_1071 = arith.muli %min3A_1056, %mul3A_1070 : vector<16xi32>
        %add3A_1072 = arith.addi %mul3A_1068, %mul3A_1071 : vector<16xi32>
        %add3A_1073 = arith.addi %add3A_1072, %min3A_1065 : vector<16xi32>
        %add3A_1074 = vector.broadcast %mul3A_20 : i32 to vector<16xi32>
        %add3A_1075 = arith.addi %add3A_1073, %add3A_1074 : vector<16xi32>
        %mul3A_1076 = arith.constant 16 : i32
        %mul3A_1077 = arith.muli %add3A_912, %mul3A_1076 : i32
        %add3A_1078 = vector.broadcast %mul3A_1077 : i32 to vector<16xi32>
        %add3A_1079 = arith.addi %iota3A, %add3A_1078 : vector<16xi32>
        %mul3A_1080 = arith.constant 8 : i32
        %mul3A_1081 = vector.broadcast %mul3A_1080 : i32 to vector<16xi32>
        %mul3A_1082 = arith.muli %add3A_1079, %mul3A_1081 : vector<16xi32>
        %add3A_1083 = arith.constant 2 : i32
        %add3A_1084 = vector.broadcast %add3A_1083 : i32 to vector<16xi32>
        %add3A_1085 = arith.addi %mul3A_1082, %add3A_1084 : vector<16xi32>
        tpu.vector_store_idx %arg11[%add3A_1085], %add3A_1075 : memref<128xi32, #tpu.memory_space<vmem>>[vector<16xi32>], vector<16xi32>,
        %add3A_1086 = arith.constant 0 : i32
        %add3A_1087 = vector.broadcast %add3A_1086 : i32 to vector<16xi32>
        %add3A_1088 = arith.addi %convert_element_type3A_926, %add3A_1087 : vector<16xi32>
        %jit3A_1089 = arith.constant 0 : i32
        %jit3A_1090 = arith.constant 31 : i32
        %max3A_1091 = vector.broadcast %jit3A_1089 : i32 to vector<16xi32>
        %max3A_1092 = arith.maxsi %max3A_1091, %add3A_1088 : vector<16xi32>
        %min3A_1093 = vector.broadcast %jit3A_1090 : i32 to vector<16xi32>
        %min3A_1094 = arith.minsi %min3A_1093, %max3A_1092 : vector<16xi32>
        %add3A_1095 = arith.constant 1 : i32
        %add3A_1096 = vector.broadcast %add3A_1095 : i32 to vector<16xi32>
        %add3A_1097 = arith.addi %convert_element_type3A_935, %add3A_1096 : vector<16xi32>
        %jit3A_1098 = arith.constant 0 : i32
        %jit3A_1099 = arith.constant 31 : i32
        %max3A_1100 = vector.broadcast %jit3A_1098 : i32 to vector<16xi32>
        %max3A_1101 = arith.maxsi %max3A_1100, %add3A_1097 : vector<16xi32>
        %min3A_1102 = vector.broadcast %jit3A_1099 : i32 to vector<16xi32>
        %min3A_1103 = arith.minsi %min3A_1102, %max3A_1101 : vector<16xi32>
        %add3A_1104 = arith.constant 1 : i32
        %add3A_1105 = vector.broadcast %add3A_1104 : i32 to vector<16xi32>
        %add3A_1106 = arith.addi %convert_element_type3A_944, %add3A_1105 : vector<16xi32>
        %jit3A_1107 = arith.constant 0 : i32
        %jit3A_1108 = arith.constant 31 : i32
        %max3A_1109 = vector.broadcast %jit3A_1107 : i32 to vector<16xi32>
        %max3A_1110 = arith.maxsi %max3A_1109, %add3A_1106 : vector<16xi32>
        %min3A_1111 = vector.broadcast %jit3A_1108 : i32 to vector<16xi32>
        %min3A_1112 = arith.minsi %min3A_1111, %max3A_1110 : vector<16xi32>
        %mul3A_1113 = arith.constant 1024 : i32
        %mul3A_1114 = vector.broadcast %mul3A_1113 : i32 to vector<16xi32>
        %mul3A_1115 = arith.muli %min3A_1094, %mul3A_1114 : vector<16xi32>
        %mul3A_1116 = arith.constant 32 : i32
        %mul3A_1117 = vector.broadcast %mul3A_1116 : i32 to vector<16xi32>
        %mul3A_1118 = arith.muli %min3A_1103, %mul3A_1117 : vector<16xi32>
        %add3A_1119 = arith.addi %mul3A_1115, %mul3A_1118 : vector<16xi32>
        %add3A_1120 = arith.addi %add3A_1119, %min3A_1112 : vector<16xi32>
        %add3A_1121 = vector.broadcast %mul3A_20 : i32 to vector<16xi32>
        %add3A_1122 = arith.addi %add3A_1120, %add3A_1121 : vector<16xi32>
        %mul3A_1123 = arith.constant 16 : i32
        %mul3A_1124 = arith.muli %add3A_912, %mul3A_1123 : i32
        %add3A_1125 = vector.broadcast %mul3A_1124 : i32 to vector<16xi32>
        %add3A_1126 = arith.addi %iota3A, %add3A_1125 : vector<16xi32>
        %mul3A_1127 = arith.constant 8 : i32
        %mul3A_1128 = vector.broadcast %mul3A_1127 : i32 to vector<16xi32>
        %mul3A_1129 = arith.muli %add3A_1126, %mul3A_1128 : vector<16xi32>
        %add3A_1130 = arith.constant 3 : i32
        %add3A_1131 = vector.broadcast %add3A_1130 : i32 to vector<16xi32>
        %add3A_1132 = arith.addi %mul3A_1129, %add3A_1131 : vector<16xi32>
        tpu.vector_store_idx %arg11[%add3A_1132], %add3A_1122 : memref<128xi32, #tpu.memory_space<vmem>>[vector<16xi32>], vector<16xi32>,
        %add3A_1133 = arith.constant 1 : i32
        %add3A_1134 = vector.broadcast %add3A_1133 : i32 to vector<16xi32>
        %add3A_1135 = arith.addi %convert_element_type3A_926, %add3A_1134 : vector<16xi32>
        %jit3A_1136 = arith.constant 0 : i32
        %jit3A_1137 = arith.constant 31 : i32
        %max3A_1138 = vector.broadcast %jit3A_1136 : i32 to vector<16xi32>
        %max3A_1139 = arith.maxsi %max3A_1138, %add3A_1135 : vector<16xi32>
        %min3A_1140 = vector.broadcast %jit3A_1137 : i32 to vector<16xi32>
        %min3A_1141 = arith.minsi %min3A_1140, %max3A_1139 : vector<16xi32>
        %add3A_1142 = arith.constant 0 : i32
        %add3A_1143 = vector.broadcast %add3A_1142 : i32 to vector<16xi32>
        %add3A_1144 = arith.addi %convert_element_type3A_935, %add3A_1143 : vector<16xi32>
        %jit3A_1145 = arith.constant 0 : i32
        %jit3A_1146 = arith.constant 31 : i32
        %max3A_1147 = vector.broadcast %jit3A_1145 : i32 to vector<16xi32>
        %max3A_1148 = arith.maxsi %max3A_1147, %add3A_1144 : vector<16xi32>
        %min3A_1149 = vector.broadcast %jit3A_1146 : i32 to vector<16xi32>
        %min3A_1150 = arith.minsi %min3A_1149, %max3A_1148 : vector<16xi32>
        %add3A_1151 = arith.constant 0 : i32
        %add3A_1152 = vector.broadcast %add3A_1151 : i32 to vector<16xi32>
        %add3A_1153 = arith.addi %convert_element_type3A_944, %add3A_1152 : vector<16xi32>
        %jit3A_1154 = arith.constant 0 : i32
        %jit3A_1155 = arith.constant 31 : i32
        %max3A_1156 = vector.broadcast %jit3A_1154 : i32 to vector<16xi32>
        %max3A_1157 = arith.maxsi %max3A_1156, %add3A_1153 : vector<16xi32>
        %min3A_1158 = vector.broadcast %jit3A_1155 : i32 to vector<16xi32>
        %min3A_1159 = arith.minsi %min3A_1158, %max3A_1157 : vector<16xi32>
        %mul3A_1160 = arith.constant 1024 : i32
        %mul3A_1161 = vector.broadcast %mul3A_1160 : i32 to vector<16xi32>
        %mul3A_1162 = arith.muli %min3A_1141, %mul3A_1161 : vector<16xi32>
        %mul3A_1163 = arith.constant 32 : i32
        %mul3A_1164 = vector.broadcast %mul3A_1163 : i32 to vector<16xi32>
        %mul3A_1165 = arith.muli %min3A_1150, %mul3A_1164 : vector<16xi32>
        %add3A_1166 = arith.addi %mul3A_1162, %mul3A_1165 : vector<16xi32>
        %add3A_1167 = arith.addi %add3A_1166, %min3A_1159 : vector<16xi32>
        %add3A_1168 = vector.broadcast %mul3A_20 : i32 to vector<16xi32>
        %add3A_1169 = arith.addi %add3A_1167, %add3A_1168 : vector<16xi32>
        %mul3A_1170 = arith.constant 16 : i32
        %mul3A_1171 = arith.muli %add3A_912, %mul3A_1170 : i32
        %add3A_1172 = vector.broadcast %mul3A_1171 : i32 to vector<16xi32>
        %add3A_1173 = arith.addi %iota3A, %add3A_1172 : vector<16xi32>
        %mul3A_1174 = arith.constant 8 : i32
        %mul3A_1175 = vector.broadcast %mul3A_1174 : i32 to vector<16xi32>
        %mul3A_1176 = arith.muli %add3A_1173, %mul3A_1175 : vector<16xi32>
        %add3A_1177 = arith.constant 4 : i32
        %add3A_1178 = vector.broadcast %add3A_1177 : i32 to vector<16xi32>
        %add3A_1179 = arith.addi %mul3A_1176, %add3A_1178 : vector<16xi32>
        tpu.vector_store_idx %arg11[%add3A_1179], %add3A_1169 : memref<128xi32, #tpu.memory_space<vmem>>[vector<16xi32>], vector<16xi32>,
        %add3A_1180 = arith.constant 1 : i32
        %add3A_1181 = vector.broadcast %add3A_1180 : i32 to vector<16xi32>
        %add3A_1182 = arith.addi %convert_element_type3A_926, %add3A_1181 : vector<16xi32>
        %jit3A_1183 = arith.constant 0 : i32
        %jit3A_1184 = arith.constant 31 : i32
        %max3A_1185 = vector.broadcast %jit3A_1183 : i32 to vector<16xi32>
        %max3A_1186 = arith.maxsi %max3A_1185, %add3A_1182 : vector<16xi32>
        %min3A_1187 = vector.broadcast %jit3A_1184 : i32 to vector<16xi32>
        %min3A_1188 = arith.minsi %min3A_1187, %max3A_1186 : vector<16xi32>
        %add3A_1189 = arith.constant 0 : i32
        %add3A_1190 = vector.broadcast %add3A_1189 : i32 to vector<16xi32>
        %add3A_1191 = arith.addi %convert_element_type3A_935, %add3A_1190 : vector<16xi32>
        %jit3A_1192 = arith.constant 0 : i32
        %jit3A_1193 = arith.constant 31 : i32
        %max3A_1194 = vector.broadcast %jit3A_1192 : i32 to vector<16xi32>
        %max3A_1195 = arith.maxsi %max3A_1194, %add3A_1191 : vector<16xi32>
        %min3A_1196 = vector.broadcast %jit3A_1193 : i32 to vector<16xi32>
        %min3A_1197 = arith.minsi %min3A_1196, %max3A_1195 : vector<16xi32>
        %add3A_1198 = arith.constant 1 : i32
        %add3A_1199 = vector.broadcast %add3A_1198 : i32 to vector<16xi32>
        %add3A_1200 = arith.addi %convert_element_type3A_944, %add3A_1199 : vector<16xi32>
        %jit3A_1201 = arith.constant 0 : i32
        %jit3A_1202 = arith.constant 31 : i32
        %max3A_1203 = vector.broadcast %jit3A_1201 : i32 to vector<16xi32>
        %max3A_1204 = arith.maxsi %max3A_1203, %add3A_1200 : vector<16xi32>
        %min3A_1205 = vector.broadcast %jit3A_1202 : i32 to vector<16xi32>
        %min3A_1206 = arith.minsi %min3A_1205, %max3A_1204 : vector<16xi32>
        %mul3A_1207 = arith.constant 1024 : i32
        %mul3A_1208 = vector.broadcast %mul3A_1207 : i32 to vector<16xi32>
        %mul3A_1209 = arith.muli %min3A_1188, %mul3A_1208 : vector<16xi32>
        %mul3A_1210 = arith.constant 32 : i32
        %mul3A_1211 = vector.broadcast %mul3A_1210 : i32 to vector<16xi32>
        %mul3A_1212 = arith.muli %min3A_1197, %mul3A_1211 : vector<16xi32>
        %add3A_1213 = arith.addi %mul3A_1209, %mul3A_1212 : vector<16xi32>
        %add3A_1214 = arith.addi %add3A_1213, %min3A_1206 : vector<16xi32>
        %add3A_1215 = vector.broadcast %mul3A_20 : i32 to vector<16xi32>
        %add3A_1216 = arith.addi %add3A_1214, %add3A_1215 : vector<16xi32>
        %mul3A_1217 = arith.constant 16 : i32
        %mul3A_1218 = arith.muli %add3A_912, %mul3A_1217 : i32
        %add3A_1219 = vector.broadcast %mul3A_1218 : i32 to vector<16xi32>
        %add3A_1220 = arith.addi %iota3A, %add3A_1219 : vector<16xi32>
        %mul3A_1221 = arith.constant 8 : i32
        %mul3A_1222 = vector.broadcast %mul3A_1221 : i32 to vector<16xi32>
        %mul3A_1223 = arith.muli %add3A_1220, %mul3A_1222 : vector<16xi32>
        %add3A_1224 = arith.constant 5 : i32
        %add3A_1225 = vector.broadcast %add3A_1224 : i32 to vector<16xi32>
        %add3A_1226 = arith.addi %mul3A_1223, %add3A_1225 : vector<16xi32>
        tpu.vector_store_idx %arg11[%add3A_1226], %add3A_1216 : memref<128xi32, #tpu.memory_space<vmem>>[vector<16xi32>], vector<16xi32>,
        %add3A_1227 = arith.constant 1 : i32
        %add3A_1228 = vector.broadcast %add3A_1227 : i32 to vector<16xi32>
        %add3A_1229 = arith.addi %convert_element_type3A_926, %add3A_1228 : vector<16xi32>
        %jit3A_1230 = arith.constant 0 : i32
        %jit3A_1231 = arith.constant 31 : i32
        %max3A_1232 = vector.broadcast %jit3A_1230 : i32 to vector<16xi32>
        %max3A_1233 = arith.maxsi %max3A_1232, %add3A_1229 : vector<16xi32>
        %min3A_1234 = vector.broadcast %jit3A_1231 : i32 to vector<16xi32>
        %min3A_1235 = arith.minsi %min3A_1234, %max3A_1233 : vector<16xi32>
        %add3A_1236 = arith.constant 1 : i32
        %add3A_1237 = vector.broadcast %add3A_1236 : i32 to vector<16xi32>
        %add3A_1238 = arith.addi %convert_element_type3A_935, %add3A_1237 : vector<16xi32>
        %jit3A_1239 = arith.constant 0 : i32
        %jit3A_1240 = arith.constant 31 : i32
        %max3A_1241 = vector.broadcast %jit3A_1239 : i32 to vector<16xi32>
        %max3A_1242 = arith.maxsi %max3A_1241, %add3A_1238 : vector<16xi32>
        %min3A_1243 = vector.broadcast %jit3A_1240 : i32 to vector<16xi32>
        %min3A_1244 = arith.minsi %min3A_1243, %max3A_1242 : vector<16xi32>
        %add3A_1245 = arith.constant 0 : i32
        %add3A_1246 = vector.broadcast %add3A_1245 : i32 to vector<16xi32>
        %add3A_1247 = arith.addi %convert_element_type3A_944, %add3A_1246 : vector<16xi32>
        %jit3A_1248 = arith.constant 0 : i32
        %jit3A_1249 = arith.constant 31 : i32
        %max3A_1250 = vector.broadcast %jit3A_1248 : i32 to vector<16xi32>
        %max3A_1251 = arith.maxsi %max3A_1250, %add3A_1247 : vector<16xi32>
        %min3A_1252 = vector.broadcast %jit3A_1249 : i32 to vector<16xi32>
        %min3A_1253 = arith.minsi %min3A_1252, %max3A_1251 : vector<16xi32>
        %mul3A_1254 = arith.constant 1024 : i32
        %mul3A_1255 = vector.broadcast %mul3A_1254 : i32 to vector<16xi32>
        %mul3A_1256 = arith.muli %min3A_1235, %mul3A_1255 : vector<16xi32>
        %mul3A_1257 = arith.constant 32 : i32
        %mul3A_1258 = vector.broadcast %mul3A_1257 : i32 to vector<16xi32>
        %mul3A_1259 = arith.muli %min3A_1244, %mul3A_1258 : vector<16xi32>
        %add3A_1260 = arith.addi %mul3A_1256, %mul3A_1259 : vector<16xi32>
        %add3A_1261 = arith.addi %add3A_1260, %min3A_1253 : vector<16xi32>
        %add3A_1262 = vector.broadcast %mul3A_20 : i32 to vector<16xi32>
        %add3A_1263 = arith.addi %add3A_1261, %add3A_1262 : vector<16xi32>
        %mul3A_1264 = arith.constant 16 : i32
        %mul3A_1265 = arith.muli %add3A_912, %mul3A_1264 : i32
        %add3A_1266 = vector.broadcast %mul3A_1265 : i32 to vector<16xi32>
        %add3A_1267 = arith.addi %iota3A, %add3A_1266 : vector<16xi32>
        %mul3A_1268 = arith.constant 8 : i32
        %mul3A_1269 = vector.broadcast %mul3A_1268 : i32 to vector<16xi32>
        %mul3A_1270 = arith.muli %add3A_1267, %mul3A_1269 : vector<16xi32>
        %add3A_1271 = arith.constant 6 : i32
        %add3A_1272 = vector.broadcast %add3A_1271 : i32 to vector<16xi32>
        %add3A_1273 = arith.addi %mul3A_1270, %add3A_1272 : vector<16xi32>
        tpu.vector_store_idx %arg11[%add3A_1273], %add3A_1263 : memref<128xi32, #tpu.memory_space<vmem>>[vector<16xi32>], vector<16xi32>,
        %add3A_1274 = arith.constant 1 : i32
        %add3A_1275 = vector.broadcast %add3A_1274 : i32 to vector<16xi32>
        %add3A_1276 = arith.addi %convert_element_type3A_926, %add3A_1275 : vector<16xi32>
        %jit3A_1277 = arith.constant 0 : i32
        %jit3A_1278 = arith.constant 31 : i32
        %max3A_1279 = vector.broadcast %jit3A_1277 : i32 to vector<16xi32>
        %max3A_1280 = arith.maxsi %max3A_1279, %add3A_1276 : vector<16xi32>
        %min3A_1281 = vector.broadcast %jit3A_1278 : i32 to vector<16xi32>
        %min3A_1282 = arith.minsi %min3A_1281, %max3A_1280 : vector<16xi32>
        %add3A_1283 = arith.constant 1 : i32
        %add3A_1284 = vector.broadcast %add3A_1283 : i32 to vector<16xi32>
        %add3A_1285 = arith.addi %convert_element_type3A_935, %add3A_1284 : vector<16xi32>
        %jit3A_1286 = arith.constant 0 : i32
        %jit3A_1287 = arith.constant 31 : i32
        %max3A_1288 = vector.broadcast %jit3A_1286 : i32 to vector<16xi32>
        %max3A_1289 = arith.maxsi %max3A_1288, %add3A_1285 : vector<16xi32>
        %min3A_1290 = vector.broadcast %jit3A_1287 : i32 to vector<16xi32>
        %min3A_1291 = arith.minsi %min3A_1290, %max3A_1289 : vector<16xi32>
        %add3A_1292 = arith.constant 1 : i32
        %add3A_1293 = vector.broadcast %add3A_1292 : i32 to vector<16xi32>
        %add3A_1294 = arith.addi %convert_element_type3A_944, %add3A_1293 : vector<16xi32>
        %jit3A_1295 = arith.constant 0 : i32
        %jit3A_1296 = arith.constant 31 : i32
        %max3A_1297 = vector.broadcast %jit3A_1295 : i32 to vector<16xi32>
        %max3A_1298 = arith.maxsi %max3A_1297, %add3A_1294 : vector<16xi32>
        %min3A_1299 = vector.broadcast %jit3A_1296 : i32 to vector<16xi32>
        %min3A_1300 = arith.minsi %min3A_1299, %max3A_1298 : vector<16xi32>
        %mul3A_1301 = arith.constant 1024 : i32
        %mul3A_1302 = vector.broadcast %mul3A_1301 : i32 to vector<16xi32>
        %mul3A_1303 = arith.muli %min3A_1282, %mul3A_1302 : vector<16xi32>
        %mul3A_1304 = arith.constant 32 : i32
        %mul3A_1305 = vector.broadcast %mul3A_1304 : i32 to vector<16xi32>
        %mul3A_1306 = arith.muli %min3A_1291, %mul3A_1305 : vector<16xi32>
        %add3A_1307 = arith.addi %mul3A_1303, %mul3A_1306 : vector<16xi32>
        %add3A_1308 = arith.addi %add3A_1307, %min3A_1300 : vector<16xi32>
        %add3A_1309 = vector.broadcast %mul3A_20 : i32 to vector<16xi32>
        %add3A_1310 = arith.addi %add3A_1308, %add3A_1309 : vector<16xi32>
        %mul3A_1311 = arith.constant 16 : i32
        %mul3A_1312 = arith.muli %add3A_912, %mul3A_1311 : i32
        %add3A_1313 = vector.broadcast %mul3A_1312 : i32 to vector<16xi32>
        %add3A_1314 = arith.addi %iota3A, %add3A_1313 : vector<16xi32>
        %mul3A_1315 = arith.constant 8 : i32
        %mul3A_1316 = vector.broadcast %mul3A_1315 : i32 to vector<16xi32>
        %mul3A_1317 = arith.muli %add3A_1314, %mul3A_1316 : vector<16xi32>
        %add3A_1318 = arith.constant 7 : i32
        %add3A_1319 = vector.broadcast %add3A_1318 : i32 to vector<16xi32>
        %add3A_1320 = arith.addi %mul3A_1317, %add3A_1319 : vector<16xi32>
        tpu.vector_store_idx %arg11[%add3A_1320], %add3A_1310 : memref<128xi32, #tpu.memory_space<vmem>>[vector<16xi32>], vector<16xi32>,
        %scan3A_1321 = arith.constant 1 : i32
        %dma_start3A_1322 = arith.constant 0 : i32
        %dma_start3A_1323 = arith.constant 0 : i32
        %dma_start3A_1324 = tpu.memref_slice %arg2[%dma_start3A_1322, %dma_start3A_1323] : memref<65536x256xf32, #tpu.memory_space<hbm>> -> memref<65536x256xf32, #tpu.memory_space<hbm>>
        tpu.enqueue_indirect_dma source(%dma_start3A_1324 : memref<65536x256xf32, #tpu.memory_space<hbm>>) target(%arg13 : memref<128x256xf32, #tpu.memory_space<vmem>>) offsets(%arg11 : memref<128xi32, #tpu.memory_space<vmem>>) semaphore(%arg15 : memref<!tpu.dma_semaphore, #tpu.memory_space<semaphore_mem>>)
      } else {
      }
    }
    %scan3A_853 = arith.constant 32 : i32
    return
  }
}

</mosaic_0001>

<sc_bundles>
// kernel: kernel.3.cloned.1.call-start
scs
__scs_entry_jumppad:
0x0: {  	(pc) =	sbr.rel $0x88, $3  }
0x1: {  	(tag) =	ssettag $0x0;
	lr =	simm.s32 $0x1  }
0x2: {  	[smem:$0x3F9F] =	sst lr;
	_ =	strace $0xD0000000  }
0x3: {  	_ = 	snop  }
0x4: {  	_ = 	snop  }
0x5: {  	_ = 	snop  }
0x6: {  	_ = 	snop  }
0x7: {  	_ = 	snop  }
__scs_overlays_trampoline_lowered:
0x8: {  	[smem:$0x3FAE] =	sst s0  }
0x9: {  	[smem:$0x3FAF] =	sst s1  }
0xa: {  	[smem:$0x3FB0] =	sst s2  }
0xb: {  	[smem:$0x3FB1] =	sst s3  }
0xc: {  	[smem:$0x3FB2] =	sst s4  }
0xd: {  	[smem:$0x3FB3] =	sst s5  }
0xe: {  	[smem:$0x3FB4] =	sst s6  }
0xf: {  	[smem:$0x3FB5] =	sst s7  }
0x10: {  	[smem:$0x3FB6] =	sst s8  }
0x11: {  	[smem:$0x3FB7] =	sst s9;
	s0 =	simm.s32 @!p0 $0x0  }
0x12: {  	s1 =	sld [smem:$0x3F9D];
	s0 =	simm.s32 @p0 $0x1  }
0x13: {  	[smem:$0x3FB8] =	sst s0;
	s0 =	simm.s32 @!p1 $0x0  }
0x14: {  	s2 =	sld [smem:$0x3F9C];
	s0 =	simm.s32 @p1 $0x1  }
0x15: {  	[smem:$0x3FB9] =	sst s0;
	s0 =	simm.s32 @!p2 $0x0  }
0x16: {  	s3 =	sld [smem:$0x3FDB];
	s0 =	simm.s32 @p2 $0x1  }
0x17: {  	s4 =	simm.s32 $0x1BF5;
	[smem:$0x3FBB] =	sst s0  }
0x18: {  	s0 =	sld [smem:$0x3F9E];
	_ =	swait.ge [sflag:s4], $0x0  }
0x19: {  	s7 =	sld [smem:$0x3F9F]  }
0x1a: {  	s8 =	sadd.s32 $0xFFFFE003, lr  }
0x1b: {  	s9 =	sadd.s32 $0xFFFFFEF7, lr;
	s5 =	simm.s32 $0xFFFFFFFF;
	p2 =	slt.u32 s8, $0xFFFFF086  }
0x1c: {  	p1 =	slt.u32 s9, $0xF7A;
	s5 =	simm.s32 @!p2 $0x0  }
0x1d: {  	s5 =	simm.s32 @p1 $0x1;
	p0 =	seq.s32 s7, s2  }
0x1e: {  	s7 =	smul.u32 @!p0 $0xF7A, s2;
	p2 =	seq.s32 @!p0 s5, $0x0  }
0x1f: {  	s9 =	smul.u32 $0xF7A, s1;
	s8 =	simm.s32 @!p0 $0x1BF5;
	p2 =	por !p2, p0  }
0x20: {  	[sflag:s8] =	ssyncset.s32 @!p0 $0xFFFFF086;
	s6 =	sadd.s32 @!p0 s3, s7;
	s7 =	simm.s32 @!p0 $0x108  }
0x21: {  	s3 =	sadd.s32 s3, s9;
	s6 =	sadd.s32 @!p0 $0x88, s6;
	s7 =	simm.s32 @p2 $0x1082  }
0x22: {  	[simem:s7], [sflag:s8] =	dma.local @!p0 [hbm:s6], $0xF7A  }
0x23: {  	s9 =	sor.u32 $0xD0000000, s2;
	s6 =	simm.s32 $0x108;
	_ =	swait.ge @!p0 [sflag:s8], $0x0  }
0x24: {  	s3 =	sadd.s32 $0x88, s3;
	s6 =	simm.s32 @!p1 $0x1082;
	[sflag:s4] =	ssyncset.s32 $0xFFFFF086  }
0x25: {  	[simem:s6], [sflag:s4] =	dma.local [hbm:s3], $0xF7A  }
0x26: {  	[smem:$0x3F9F] =	sst s1;
	(tag) =	ssettag s2;
	_ =	strace s9  }
0x27: {  	s1 =	sld [smem:$0x3FAF]  }
0x28: {  	s2 =	sld [smem:$0x3FB0]  }
0x29: {  	s4 =	sld [smem:$0x3FB2]  }
0x2a: {  	p0 =	seq.s32 s5, $0x0;
	s5 =	sld [smem:$0x3FB3]  }
0x2b: {  	s6 =	sld [smem:$0x3FB4]  }
0x2c: {  	s7 =	sld [smem:$0x3FB5]  }
0x2d: {  	s3 =	simm.s32 $0x108;
	s8 =	sld [smem:$0x3FB6]  }
0x2e: {  	s3 =	simm.s32 @!p0 $0x1082;
	s9 =	sld [smem:$0x3FB7]  }
0x2f: {  	lr =	sadd.s32 s0, s3;
	s0 =	sld [smem:$0x3FAE]  }
0x30: {  	s3 =	sld [smem:$0x3FB1]  }
0x31: {  	[smem:$0x3FBA] =	sst s10  }
0x32: {  	s10 =	sld [smem:$0x3FB8];
	_ =	sdelay $0x3  }
0x33: {  	p0 =	seq.s32 s10, $0x1;
	s10 =	sld [smem:$0x3FBA];
	_ =	sdelay $0x3  }
0x34: {  	[smem:$0x3FBA] =	sst s10  }
0x35: {  	s10 =	sld [smem:$0x3FB9];
	_ =	sdelay $0x3  }
0x36: {  	p1 =	seq.s32 s10, $0x1;
	s10 =	sld [smem:$0x3FBA];
	_ =	sdelay $0x3  }
0x37: {  	[smem:$0x3FBA] =	sst s10  }
0x38: {  	s10 =	sld [smem:$0x3FBB]  }
0x39: {  	_ = 	snop;
	(pc) =	sbr.ind lr, $3  }
0x3a: {  	_ = 	snop  }
0x3b: {  	_ = 	snop  }
0x3c: {  	p2 =	seq.s32 s10, $0x1;
	s10 =	sld [smem:$0x3FBA]  }
0x3d: {  	_ =	shalt  }
0x3e: {  	_ =	shalt  }
0x3f: {  	_ =	shalt  }
0x40: {  	_ =	shalt  }
0x41: {  	_ =	shalt  }
0x42: {  	_ =	shalt  }
0x43: {  	_ =	shalt  }
0x44: {  	_ =	shalt  }
0x45: {  	_ =	shalt  }
0x46: {  	_ =	shalt  }
0x47: {  	_ =	shalt  }
0x48: {  	_ =	shalt  }
0x49: {  	_ =	shalt  }
0x4a: {  	_ =	shalt  }
0x4b: {  	_ =	shalt  }
0x4c: {  	_ =	shalt  }
0x4d: {  	_ =	shalt  }
0x4e: {  	_ =	shalt  }
0x4f: {  	_ =	shalt  }
0x50: {  	_ =	shalt  }
0x51: {  	_ =	shalt  }
0x52: {  	_ =	shalt  }
0x53: {  	_ =	shalt  }
0x54: {  	_ =	shalt  }
0x55: {  	_ =	shalt  }
0x56: {  	_ =	shalt  }
0x57: {  	_ =	shalt  }
0x58: {  	_ =	shalt  }
0x59: {  	_ =	shalt  }
0x5a: {  	_ =	shalt  }
0x5b: {  	_ =	shalt  }
0x5c: {  	_ =	shalt  }
0x5d: {  	_ =	shalt  }
0x5e: {  	_ =	shalt  }
0x5f: {  	_ =	shalt  }
0x60: {  	_ =	shalt  }
0x61: {  	_ =	shalt  }
0x62: {  	_ =	shalt  }
0x63: {  	_ =	shalt  }
0x64: {  	_ =	shalt  }
0x65: {  	_ =	shalt  }
0x66: {  	_ =	shalt  }
0x67: {  	_ =	shalt  }
0x68: {  	_ =	shalt  }
0x69: {  	_ =	shalt  }
0x6a: {  	_ =	shalt  }
0x6b: {  	_ =	shalt  }
0x6c: {  	_ =	shalt  }
0x6d: {  	_ =	shalt  }
0x6e: {  	_ =	shalt  }
0x6f: {  	_ =	shalt  }
0x70: {  	_ =	shalt  }
0x71: {  	_ =	shalt  }
0x72: {  	_ =	shalt  }
0x73: {  	_ =	shalt  }
0x74: {  	_ =	shalt  }
0x75: {  	_ =	shalt  }
0x76: {  	_ =	shalt  }
0x77: {  	_ =	shalt  }
0x78: {  	_ =	shalt  }
0x79: {  	_ =	shalt  }
0x7a: {  	_ =	shalt  }
0x7b: {  	_ =	shalt  }
0x7c: {  	_ =	shalt  }
0x7d: {  	_ =	shalt  }
0x7e: {  	_ =	shalt  }
0x7f: {  	_ =	shalt  }
0x80: {  	_ =	shalt  }
0x81: {  	_ =	shalt  }
0x82: {  	_ =	shalt  }
0x83: {  	_ =	shalt  }
0x84: {  	_ =	shalt  }
0x85: {  	_ =	shalt  }
0x86: {  	_ =	shalt  }
0x87: {  	_ =	shalt  }
.Lfunc_end0:
.L_simem_size_0:
called_computation_lowered:
.L_overlay_start_0:
0x88: {  	s2 =	sld [smem:$0x3FD9]  }
0x89: {  	s3 =	sld [smem:$0x3FFE];
	_ =	sdelay $0x1  }
0x8a: {  	s1 =	srdreg.scid  }
0x8b: {  	s0 =	sand.u32 $0x1, s1  }
0x8c: {  	s17 =	sshll.u32 s0, $0xA;
	s2 =	sadd.s32 s3, s2  }
0x8d: {  	s2 =	sadd.s32 s2, s17  }
0x8e: {  	[smem:$0x3FC6] =	sst s2  }
0x8f: {  	_ = 	snop  }
0x90: {  	s2 =	sld [smem:$0x3FC8]  }
0x91: {  	s18 =	sld [smem:$0x3FD0];
	(tm) =	ssettm $0x1  }
0x92: {  	s4 =	sld [smem:$0x3FFB];
	_ =	sdelay $0x3  }
0x93: {  	_ =	strace s4  }
0x94: {  	s4 =	sld [smem:$0x3FFC];
	_ =	sdelay $0x3  }
0x95: {  	_ =	strace s4  }
0x96: {  	s4 =	sld [smem:$0x3FFD];
	_ =	sdelay $0x3  }
0x97: {  	_ =	strace s4  }
0x98: {  	_ =	strace $0x8FFFFFFF  }
0x99: {  	s19 =	sld [smem:$0x3FDB];
	_ =	sdelay $0x1  }
0x9a: {  	s5 =	simm.s32 $_scs_section_size  }
0x9b: {  	s6 =	simm.s32 $_size__tile_overlayer_lowered;
	s7 =	simm.s32 $_tile_overlayer_lowered  }
0x9c: {  	s22 =	simm.s32 $0x1BFF;
	s21 =	sshll.u32 s7, $0x1;
	s4 =	sadd.s32 s5, s19  }
0x9d: {  	s8 =	simm.s32 $0x0;
	s20 =	sshll.u32 s6, $0x1;
	s6 =	sadd.s32 s21, s4  }
0x9e: {  	[timem:s8], [sflag:s22] =	dma.local [hbm:s6], s20  }
0x9f: {  	_ =	swait.ge [sflag:s22], s20  }
0xa0: {  	s5 =	ssub.s32 $0x0, s20;
	[sflag:s22] =	ssyncset.done $0x0  }
0xa1: {  	[sflag:s22] =	ssyncadd.s32 s5;
	_ =	sdelay $0x1  }
0xa2: {  	s23 =	simm.s32 $0x1B8B  }
0xa3: {  	_ =	swait.ge [sflag:s23], $0x1  }
0xa4: {  	[sflag:s23] =	ssyncset.done $0x0  }
0xa5: {  	s25 =	simm.s32 $0x1B8E;
	s24 =	sld [smem:$0x3FFE];
	[sflag:s23] =	ssyncadd.s32 $0xFFFFFFFF  }
0xa6: {  	s26 =	simm.s32 $execute0_lowered;
	[smem:$0x3FD2] =	sst s25  }
0xa7: {  	s6 =	sshll.u32 s26, $0x1;
	_ =	strace $0x80000046;
	[dreg:$0x1] =	wrdreg $0xFFFFFFFF  }
0xa8: {  	s28 =	simm.s32 $_size_execute0_lowered;
	s4 =	sadd.s32 s4, s6;
	[dreg:$0x0] =	wrdreg $0x0  }
0xa9: {  	s6 =	sshll.u32 s28, $0x1;
	[dreg:$0x2] =	wrdreg s4  }
0xaa: {  	[dreg:$0x3] =	wrdreg s6  }
0xab: {  	[dreg:$0x4] =	wrdreg $0xC0  }
0xac: {  	_ =	task [dreg:s8], $0x5FFFF  }
0xad: {  	[dreg:$0x1] =	wrdreg $0xFFFFFFFF  }
0xae: {  	[dreg:$0x0] =	wrdreg $0x60  }
0xaf: {  	[dreg:$0x2] =	wrdreg s2  }
0xb0: {  	[dreg:$0x3] =	wrdreg s24  }
0xb1: {  	[dreg:$0x4] =	wrdreg s18  }
0xb2: {  	[dreg:$0x5] =	wrdreg $0x9  }
0xb3: {  	_ =	task.clear_ibuf [dreg:s8], $0x6FFFF;
	_ =	strace $0x90000046  }
0xb4: {  	s29 =	simm.s32 $0x9;
	_ =	strace $0x80000048  }
0xb5: {  	_ =	swait.ge [sflag:s29], $0x1  }
0xb6: {  	[sflag:s29] =	ssyncadd.s32 $0xFFFFFFFF  }
0xb7: {  	_ =	strace $0x90000048  }
0xb8: {  	_ =	sfence  }
0xb9: {  	s30 =	sld [smem:$0x0];
	_ =	sdelay $0x2  }
0xba: {  	s31 =	sshll.u32 s1, $0xD;
	s1 =	sshrl.u32 s1, $0x2  }
0xbb: {  	s3 =	sand.u32 $0x4000, s31;
	s1 =	sadd.s32 s1, s30  }
0xbc: {  	s0 =	sor.u32 s3, s0;
	s1 =	sshll.u32 s1, $0x11  }
0xbd: {  	s0 =	sor.u32 s1, s0  }
0xbe: {  	s0 =	sadd.s32 $0x8F2B, s0  }
0xbf: {  	[sflag:s0] =	ssyncadd.remote.s32 $0x1  }
0xc0: {  	_ =	sfence.sel $0xFFFF  }
0xc1: {  	[dreg:$0x0] =	wrdreg $0xFFFFFFFF;
	(pc) =	sbr.abs _section_cstart, $3  }
0xc2: {  	[dreg:$0x1] =	wrdreg $0xFFFFFFFF  }
0xc3: {  	_ =	task.clear_ibuf [dreg:s8], $0x2FFFF;
	_ =	strace $0x9FFFFFFF  }
0xc4: {  	(tm) =	ssettm $0x7FFFFFFF  }
0xc5: {  	_ =	shalt  }
tec
execute0_lowered:
.L_overlay_start_1:
0x0: {  	(tag) =	ssettag $0x1  }
0x1: {  	s1 =	rddreg [dreg:$0x0]  }
0x2: {  	s0 =	rddreg [dreg:$0x1]  }
0x3: {  	s2 =	rddreg [dreg:$0x2]  }
0x4: {  	s3 =	srdreg.scid;
	s7 =	stileid.u32  }
0x5: {  	s12 =	simm.s32 $0xC00;
	s13 =	simm.s32 $0xD00;
	s28 =	simm.s32 $0x7D00  }
0x6: {  	s29 =	simm.s32 $0x8500;
	s30 =	simm.s32 $0xC80;
	s31 =	simm.s32 $0x8D00  }
0x7: {  	s10 =	simm.s32 $0xA500;
	s11 =	simm.s32 $0xAD00;
	s9 =	simm.s32 $0xDD00  }
0x8: {  	s14 =	simm.s32 $0xE500;
	s15 =	simm.s32 $0xED00;
	s16 =	simm.s32 $0xF500  }
0x9: {  	s17 =	simm.s32 $0xFD00;
	s18 =	simm.s32 $0x10500;
	s4 =	sand.u32 $0x1, s3  }
0xa: {  	s3 =	simm.s32 $0x0;
	s5 =	sshll.u32 s7, $0x8;
	s22 =	sshll.u32 s7, $0x13  }
0xb: {  	s23 =	sshll.u32 s7, $0xC;
	s7 =	simm.s32 $0xCD00;
	s6 =	sshll.u32 s4, $0x7  }
0xc: {  	[smem:$0x7FF] =	sst s3;
	s19 =	ssub.s32 $0x2, s4;
	s2 =	sadd.s32 s22, s2  }
0xd: {  	s4 =	sshll.u32 s4, $0x12;
	s24 =	sand.u32 $0x8000, s23;
	s22 =	simm.s32 $0x4  }
0xe: {  	s5 =	sor.u32 s6, s5;
	_ =	strace $0x80000047;
	s20 =	sshrl.u32 s19, $0x1  }
0xf: {  	s2 =	sadd.s32 s4, s2;
	s4 =	simm.s32 $0xB500;
	s6 =	simm.s32 $0xC500  }
0x10: {  	v1 =	vmov s24;
	s24 =	simm.s32 $0x0;
	s0 =	sadd.s32 s5, s0;
	s26 =	sadd.s32 $0x1000, s2  }
0x11: {  	v11 =	vlaneseq.u32;
	s5 =	ssub.s32 s19, s20;
	s21 =	sadd.s32 $0x2600, s0;
	[dreg:$0x8] =	wrdreg s26  }
.Ltmp0:
0x12: {  	v0 =	vmul.u32 $0x8, v11;
	s8 =	sadd.s32 $0x1600, s0;
	[dreg:$0x4] =	wrdreg s21;
	(pc) =	sbr.rel .LBB2_1-.Ltmp0, $4  }
0x13: {  	vm0 =	vmmov $0xffff;
	v10 =	vshrl.u32 v11, $0x3;
	v9 =	vand.u32 $0x7, v11;
	s2 =	simm.s32 $0x9D00;
	s0 =	sadd.s32 $0x600, s0;
	[dreg:$0x5] =	wrdreg s8  }
0x14: {  	v11 =	vor.u32 $0x8, v11;
	v10 =	vmul.u32 $0x8, v10;
	v2 =	vor.u32 $0x1, v0;
	s19 =	simm.s32 $0x1;
	s25 =	smax.u32 s5, $0x1;
	[dreg:$0x6] =	wrdreg s0  }
0x15: {  	v3 =	vor.u32 $0x2, v0;
	v4 =	vor.u32 $0x3, v0;
	v5 =	vor.u32 $0x4, v0;
	s20 =	simm.s32 $0x2;
	s5 =	simm.s32 $0xBD00;
	[dreg:$0x7] =	wrdreg s25  }
0x16: {  	v6 =	vor.u32 $0x5, v0;
	v7 =	vor.u32 $0x6, v0;
	v8 =	vor.u32 $0x7, v0;
	s0 =	simm.s32 $0x9500;
	s8 =	simm.s32 $0xD500;
	s21 =	simm.s32 $0x3  }
.LBB2_4:
0x17: {  	_ =	swait.ge [sflag:s22], $0x8000  }
0x18: {  	s24 =	rddreg [dreg:$0x9]  }
0x19: {  	s23 =	rddreg [dreg:$0x7];
	s24 =	sadd.s32 $0x1, s24  }
0x1a: {  	p0 =	sne.s32 s24, s23  }
.Ltmp1:
0x1b: {  	_ = 	snop;
	(pc) =	sbr.rel @!p0 .LBB2_5-.Ltmp1, $3  }
0x1c: {  	_ =	sdelay $0x1  }
0x1d: {  	[sflag:s22] =	ssyncset.done $0x0  }
0x1e: {  	[sflag:s22] =	ssyncadd.s32 $0xFFFF8000  }
.LBB2_1:
0x1f: {  	[dreg:$0x9] =	wrdreg s24  }
0x20: {  	s23 =	rddreg [dreg:$0x4];
	s24 =	simm.s32 $0x5  }
0x21: {  	[tilespmem:s3], [sflag:$0x5] =	stream.linear.gather [hbm4b:s23+s3], $0x400, $0x38;
	[tilespmem:$0x10D00] =	vst v63  }
0x22: {  	_ =	swait.ge [sflag:s24], $0x400  }
0x23: {  	[sflag:s24] =	ssyncset.done $0x0  }
0x24: {  	s25 =	simm.s32 $0x400;
	s26 =	rddreg [dreg:$0x5];
	[sflag:s24] =	ssyncadd.s32 $0xFFFFFC00  }
0x25: {  	[tilespmem:s25], [sflag:$0x5] =	stream.linear.gather [hbm4b:s26+s3], $0x400, $0x38;
	[tilespmem:$0x10D00] =	vst v63  }
0x26: {  	_ =	swait.ge [sflag:s24], $0x400  }
0x27: {  	[sflag:s24] =	ssyncset.done $0x0  }
0x28: {  	s26 =	simm.s32 $0x800;
	s25 =	rddreg [dreg:$0x6];
	[sflag:s24] =	ssyncadd.s32 $0xFFFFFC00  }
0x29: {  	[tilespmem:s26], [sflag:$0x5] =	stream.linear.gather [hbm4b:s25+s3], $0x400, $0x38;
	[tilespmem:$0x10D00] =	vst v63  }
0x2a: {  	_ =	swait.ge [sflag:s24], $0x400  }
0x2b: {  	[sflag:s24] =	ssyncset.done $0x0  }
0x2c: {  	[sflag:s24] =	ssyncadd.s32 $0xFFFFFC00  }
0x2d: {  	v12 =	vld [tilespmem:$0x0]  }
0x2e: {  	v13 =	vld [tilespmem:$0x400]  }
0x2f: {  	v14 =	vld [tilespmem:$0x800];
	_ =	sdelay $0x3  }
0x30: {  	v12 =	vadd.f32 $1.000000000e+00, v12;
	v13 =	vadd.f32 $1.000000000e+00, v13  }
0x31: {  	v14 =	vadd.f32 $1.000000000e+00, v14  }
0x32: {  	v12 =	vmul.f32 $1.550000000e+01, v12;
	v13 =	vmul.f32 $1.550000000e+01, v13  }
0x33: {  	v14 =	vmul.f32 $1.550000000e+01, v14  }
0x34: {  	v12 =	vtrunc.f32 v12;
	v13 =	vtrunc.f32 v13  }
0x35: {  	v14 =	vtrunc.f32 v14;
	v12 =	vcvt.f32.s32 v12  }
0x36: {  	v13 =	vcvt.f32.s32 v13;
	v14 =	vcvt.f32.s32 v14;
	_ =	sdelay $0x1  }
0x37: {  	vm1 =	vgt.s32 v12, $0x0;
	vm2 =	vgt.s32 v13, $0x0;
	vm3 =	vgt.s32 v14, $0x0  }
0x38: {  	v15 =	vnsel vm1, $0x0, v12;
	v16 =	vnsel vm2, $0x0, v13;
	v17 =	vnsel vm3, $0x0, v14  }
0x39: {  	v14 =	vadd.s32 $0x1, v14;
	v13 =	vadd.s32 $0x1, v13;
	v12 =	vadd.s32 $0x1, v12  }
0x3a: {  	v15 =	vmin.u32 v15, $0x1F;
	v16 =	vmin.u32 v16, $0x1F;
	v17 =	vmin.u32 v17, $0x1F  }
0x3b: {  	vm1 =	vgt.s32 v14, $0x0;
	v15 =	vshll.u32 v15, $0xA;
	v16 =	vshll.u32 v16, $0x5  }
0x3c: {  	v14 =	vnsel vm1, $0x0, v14;
	vm1 =	vgt.s32 v13, $0x0;
	v17 =	vor.u32 v1, v17  }
0x3d: {  	v18 =	vor.u32 v15, v16;
	v13 =	vnsel vm1, $0x0, v13;
	vm1 =	vgt.s32 v12, $0x0  }
0x3e: {  	v14 =	vmin.u32 v14, $0x1F;
	v13 =	vmin.u32 v13, $0x1F;
	v12 =	vnsel vm1, $0x0, v12  }
0x3f: {  	v19 =	vor.u32 v18, v17;
	v14 =	vor.u32 v1, v14;
	v13 =	vshll.u32 v13, $0x5  }
0x40: {  	[tilespmem:v0+s12+$0x0] =	vst.idx.msk $0xffff, v19;
	v18 =	vor.u32 v18, v14;
	v12 =	vmin.u32 v12, $0x1F;
	v15 =	vor.u32 v15, v13  }
0x41: {  	[tilespmem:v2+s12+$0x0] =	vst.idx.msk $0xffff, v18;
	v12 =	vshll.u32 v12, $0xA;
	v36 =	vor.u32 v15, v17  }
0x42: {  	v15 =	vor.u32 v15, v14;
	v16 =	vor.u32 v16, v12;
	[tilespmem:v3+s12+$0x0] =	vst.idx.msk $0xffff, v36  }
0x43: {  	v37 =	vor.u32 v16, v17;
	[tilespmem:v4+s12+$0x0] =	vst.idx.msk $0xffff, v15  }
0x44: {  	v12 =	vor.u32 v12, v13;
	v38 =	vor.u32 v16, v14;
	[tilespmem:v5+s12+$0x0] =	vst.idx.msk $0xffff, v37  }
0x45: {  	v13 =	vor.u32 v12, v17;
	[tilespmem:v6+s12+$0x0] =	vst.idx.msk $0xffff, v38  }
0x46: {  	v12 =	vor.u32 v12, v14;
	[tilespmem:v7+s12+$0x0] =	vst.idx.msk $0xffff, v13  }
0x47: {  	[tilespmem:v8+s12+$0x0] =	vst.idx.msk $0xffff, v12  }
0x48: {  	v12 =	vld [tilespmem:$0xC00];
	_ =	sdelay $0x4  }
0x49: {  	v39 =	vshll.u32 v12, $0x1  }
0x4a: {  	v12 =	vand.u32 $0x7, v12;
	v13 =	vand.u32 $0xFFFFFFF0, v39  }
0x4b: {  	v12 =	vor.u32 v12, v13  }
0x4c: {  	v13 =	vperm.xlane v12, v9;
	_ =	sdelay $0x1  }
0x4d: {  	v12 =	vperm.xlane v12, v11;
	v13 =	vadd.s32 v10, v13;
	_ =	sdelay $0x1  }
0x4e: {  	v12 =	vadd.s32 v10, v12;
	_ =	sdelay $0x2  }
0x4f: {  	[tilespmem:s13], [sflag:$0x1] =	stream.indirect_vreg.gather [hbm4b:s1+s3], $0x80, v13, vm0, $0xb8;
	[tilespmem:$0x10D00] =	vst v63  }
0x50: {  	s26 =	simm.s32 $0x1500  }
0x51: {  	[tilespmem:s26], [sflag:$0x1] =	stream.indirect_vreg.gather [hbm4b:s1+s3], $0x80, v12, vm0, $0xb8;
	[tilespmem:$0x10D00] =	vst v63  }
0x52: {  	v12 =	vld [tilespmem:$0xC10];
	_ =	sdelay $0x4  }
0x53: {  	v40 =	vshll.u32 v12, $0x1  }
0x54: {  	v12 =	vand.u32 $0x7, v12;
	v13 =	vand.u32 $0xFFFFFFF0, v40  }
0x55: {  	v12 =	vor.u32 v12, v13  }
0x56: {  	v13 =	vperm.xlane v12, v9;
	_ =	sdelay $0x1  }
0x57: {  	v12 =	vperm.xlane v12, v11;
	v13 =	vadd.s32 v10, v13;
	_ =	sdelay $0x1  }
0x58: {  	v12 =	vadd.s32 v10, v12;
	_ =	sdelay $0x1  }
0x59: {  	s24 =	simm.s32 $0x1D00  }
0x5a: {  	[tilespmem:s24], [sflag:$0x1] =	stream.indirect_vreg.gather [hbm4b:s1+s3], $0x80, v13, vm0, $0xb8;
	[tilespmem:$0x10D00] =	vst v63  }
0x5b: {  	s25 =	simm.s32 $0x2500  }
0x5c: {  	[tilespmem:s25], [sflag:$0x1] =	stream.indirect_vreg.gather [hbm4b:s1+s3], $0x80, v12, vm0, $0xb8;
	[tilespmem:$0x10D00] =	vst v63  }
0x5d: {  	v12 =	vld [tilespmem:$0xC20];
	_ =	sdelay $0x4  }
0x5e: {  	v41 =	vshll.u32 v12, $0x1  }
0x5f: {  	v12 =	vand.u32 $0x7, v12;
	v13 =	vand.u32 $0xFFFFFFF0, v41  }
0x60: {  	v12 =	vor.u32 v12, v13  }
0x61: {  	v13 =	vperm.xlane v12, v9;
	_ =	sdelay $0x1  }
0x62: {  	v12 =	vperm.xlane v12, v11;
	v13 =	vadd.s32 v10, v13;
	_ =	sdelay $0x1  }
0x63: {  	v12 =	vadd.s32 v10, v12;
	_ =	sdelay $0x1  }
0x64: {  	s26 =	simm.s32 $0x2D00  }
0x65: {  	[tilespmem:s26], [sflag:$0x1] =	stream.indirect_vreg.gather [hbm4b:s1+s3], $0x80, v13, vm0, $0xb8;
	[tilespmem:$0x10D00] =	vst v63  }
0x66: {  	s24 =	simm.s32 $0x3500  }
0x67: {  	[tilespmem:s24], [sflag:$0x1] =	stream.indirect_vreg.gather [hbm4b:s1+s3], $0x80, v12, vm0, $0xb8;
	[tilespmem:$0x10D00] =	vst v63  }
0x68: {  	v12 =	vld [tilespmem:$0xC30];
	_ =	sdelay $0x4  }
0x69: {  	v42 =	vshll.u32 v12, $0x1  }
0x6a: {  	v12 =	vand.u32 $0x7, v12;
	v13 =	vand.u32 $0xFFFFFFF0, v42  }
0x6b: {  	v12 =	vor.u32 v12, v13  }
0x6c: {  	v13 =	vperm.xlane v12, v9;
	_ =	sdelay $0x1  }
0x6d: {  	v12 =	vperm.xlane v12, v11;
	v13 =	vadd.s32 v10, v13;
	_ =	sdelay $0x1  }
0x6e: {  	v12 =	vadd.s32 v10, v12;
	_ =	sdelay $0x1  }
0x6f: {  	s25 =	simm.s32 $0x3D00  }
0x70: {  	[tilespmem:s25], [sflag:$0x1] =	stream.indirect_vreg.gather [hbm4b:s1+s3], $0x80, v13, vm0, $0xb8;
	[tilespmem:$0x10D00] =	vst v63  }
0x71: {  	s26 =	simm.s32 $0x4500  }
0x72: {  	[tilespmem:s26], [sflag:$0x1] =	stream.indirect_vreg.gather [hbm4b:s1+s3], $0x80, v12, vm0, $0xb8;
	[tilespmem:$0x10D00] =	vst v63  }
0x73: {  	v12 =	vld [tilespmem:$0xC40];
	_ =	sdelay $0x4  }
0x74: {  	v43 =	vshll.u32 v12, $0x1  }
0x75: {  	v12 =	vand.u32 $0x7, v12;
	v13 =	vand.u32 $0xFFFFFFF0, v43  }
0x76: {  	v12 =	vor.u32 v12, v13  }
0x77: {  	v13 =	vperm.xlane v12, v9;
	_ =	sdelay $0x1  }
0x78: {  	v12 =	vperm.xlane v12, v11;
	v13 =	vadd.s32 v10, v13;
	_ =	sdelay $0x1  }
0x79: {  	v12 =	vadd.s32 v10, v12;
	_ =	sdelay $0x1  }
0x7a: {  	s24 =	simm.s32 $0x4D00  }
0x7b: {  	[tilespmem:s24], [sflag:$0x1] =	stream.indirect_vreg.gather [hbm4b:s1+s3], $0x80, v13, vm0, $0xb8;
	[tilespmem:$0x10D00] =	vst v63  }
0x7c: {  	s25 =	simm.s32 $0x5500  }
0x7d: {  	[tilespmem:s25], [sflag:$0x1] =	stream.indirect_vreg.gather [hbm4b:s1+s3], $0x80, v12, vm0, $0xb8;
	[tilespmem:$0x10D00] =	vst v63  }
0x7e: {  	v12 =	vld [tilespmem:$0xC50];
	_ =	sdelay $0x4  }
0x7f: {  	v44 =	vshll.u32 v12, $0x1  }
0x80: {  	v12 =	vand.u32 $0x7, v12;
	v13 =	vand.u32 $0xFFFFFFF0, v44  }
0x81: {  	v12 =	vor.u32 v12, v13  }
0x82: {  	v13 =	vperm.xlane v12, v9;
	_ =	sdelay $0x1  }
0x83: {  	v12 =	vperm.xlane v12, v11;
	v13 =	vadd.s32 v10, v13;
	_ =	sdelay $0x1  }
0x84: {  	v12 =	vadd.s32 v10, v12;
	_ =	sdelay $0x1  }
0x85: {  	s26 =	simm.s32 $0x5D00  }
0x86: {  	[tilespmem:s26], [sflag:$0x1] =	stream.indirect_vreg.gather [hbm4b:s1+s3], $0x80, v13, vm0, $0xb8;
	[tilespmem:$0x10D00] =	vst v63  }
0x87: {  	s24 =	simm.s32 $0x6500  }
0x88: {  	[tilespmem:s24], [sflag:$0x1] =	stream.indirect_vreg.gather [hbm4b:s1+s3], $0x80, v12, vm0, $0xb8;
	[tilespmem:$0x10D00] =	vst v63  }
0x89: {  	v12 =	vld [tilespmem:$0xC60];
	_ =	sdelay $0x4  }
0x8a: {  	v45 =	vshll.u32 v12, $0x1  }
0x8b: {  	v12 =	vand.u32 $0x7, v12;
	v13 =	vand.u32 $0xFFFFFFF0, v45  }
0x8c: {  	v12 =	vor.u32 v12, v13  }
0x8d: {  	v13 =	vperm.xlane v12, v9;
	_ =	sdelay $0x1  }
0x8e: {  	v12 =	vperm.xlane v12, v11;
	v13 =	vadd.s32 v10, v13;
	_ =	sdelay $0x1  }
0x8f: {  	v12 =	vadd.s32 v10, v12;
	_ =	sdelay $0x1  }
0x90: {  	s25 =	simm.s32 $0x6D00  }
0x91: {  	[tilespmem:s25], [sflag:$0x1] =	stream.indirect_vreg.gather [hbm4b:s1+s3], $0x80, v13, vm0, $0xb8;
	[tilespmem:$0x10D00] =	vst v63  }
0x92: {  	s26 =	simm.s32 $0x7500  }
0x93: {  	[tilespmem:s26], [sflag:$0x1] =	stream.indirect_vreg.gather [hbm4b:s1+s3], $0x80, v12, vm0, $0xb8;
	[tilespmem:$0x10D00] =	vst v63  }
0x94: {  	v12 =	vld [tilespmem:$0xC70];
	_ =	sdelay $0x4  }
0x95: {  	v46 =	vshll.u32 v12, $0x1  }
0x96: {  	v12 =	vand.u32 $0x7, v12;
	v13 =	vand.u32 $0xFFFFFFF0, v46  }
0x97: {  	v12 =	vor.u32 v12, v13  }
0x98: {  	v13 =	vperm.xlane v12, v9;
	_ =	sdelay $0x1  }
0x99: {  	v12 =	vperm.xlane v12, v11;
	v13 =	vadd.s32 v10, v13;
	_ =	sdelay $0x1  }
0x9a: {  	v12 =	vadd.s32 v10, v12;
	_ =	sdelay $0x2  }
0x9b: {  	[tilespmem:s28], [sflag:$0x1] =	stream.indirect_vreg.gather [hbm4b:s1+s3], $0x80, v13, vm0, $0xb8;
	[tilespmem:$0x10D00] =	vst v63  }
0x9c: {  	_ = 	snop  }
0x9d: {  	[tilespmem:s29], [sflag:$0x1] =	stream.indirect_vreg.gather [hbm4b:s1+s3], $0x80, v12, vm0, $0xb8;
	[tilespmem:$0x10D00] =	vst v63  }
0x9e: {  	v12 =	vld [tilespmem:$0x10]  }
0x9f: {  	v13 =	vld [tilespmem:$0x410]  }
0xa0: {  	v47 =	vld [tilespmem:$0x810];
	_ =	sdelay $0x3  }
0xa1: {  	v12 =	vadd.f32 $1.000000000e+00, v12;
	v13 =	vadd.f32 $1.000000000e+00, v13  }
0xa2: {  	v14 =	vadd.f32 $1.000000000e+00, v47  }
0xa3: {  	v12 =	vmul.f32 $1.550000000e+01, v12;
	v13 =	vmul.f32 $1.550000000e+01, v13  }
0xa4: {  	v14 =	vmul.f32 $1.550000000e+01, v14  }
0xa5: {  	v12 =	vtrunc.f32 v12;
	v13 =	vtrunc.f32 v13  }
0xa6: {  	v14 =	vtrunc.f32 v14;
	v12 =	vcvt.f32.s32 v12  }
0xa7: {  	v13 =	vcvt.f32.s32 v13;
	v14 =	vcvt.f32.s32 v14;
	_ =	sdelay $0x1  }
0xa8: {  	vm1 =	vgt.s32 v12, $0x0;
	vm2 =	vgt.s32 v13, $0x0;
	vm3 =	vgt.s32 v14, $0x0  }
0xa9: {  	v48 =	vnsel vm1, $0x0, v12;
	v49 =	vnsel vm2, $0x0, v13;
	v50 =	vnsel vm3, $0x0, v14  }
0xaa: {  	v14 =	vadd.s32 $0x1, v14;
	v13 =	vadd.s32 $0x1, v13;
	v12 =	vadd.s32 $0x1, v12  }
0xab: {  	v15 =	vmin.u32 v48, $0x1F;
	v16 =	vmin.u32 v49, $0x1F;
	v17 =	vmin.u32 v50, $0x1F  }
0xac: {  	vm1 =	vgt.s32 v14, $0x0;
	v15 =	vshll.u32 v15, $0xA;
	v16 =	vshll.u32 v16, $0x5  }
0xad: {  	v14 =	vnsel vm1, $0x0, v14;
	vm1 =	vgt.s32 v13, $0x0;
	v17 =	vor.u32 v1, v17  }
0xae: {  	v51 =	vor.u32 v15, v16;
	v13 =	vnsel vm1, $0x0, v13;
	vm1 =	vgt.s32 v12, $0x0  }
0xaf: {  	v14 =	vmin.u32 v14, $0x1F;
	v13 =	vmin.u32 v13, $0x1F;
	v12 =	vnsel vm1, $0x0, v12  }
0xb0: {  	v52 =	vor.u32 v51, v17;
	v14 =	vor.u32 v1, v14;
	v13 =	vshll.u32 v13, $0x5  }
0xb1: {  	[tilespmem:v0+s30+$0x0] =	vst.idx.msk $0xffff, v52;
	v18 =	vor.u32 v51, v14;
	v12 =	vmin.u32 v12, $0x1F;
	v15 =	vor.u32 v15, v13  }
0xb2: {  	[tilespmem:v2+s30+$0x0] =	vst.idx.msk $0xffff, v18;
	v12 =	vshll.u32 v12, $0xA;
	v53 =	vor.u32 v15, v17  }
0xb3: {  	v15 =	vor.u32 v15, v14;
	v16 =	vor.u32 v16, v12;
	[tilespmem:v3+s30+$0x0] =	vst.idx.msk $0xffff, v53  }
0xb4: {  	v54 =	vor.u32 v16, v17;
	[tilespmem:v4+s30+$0x0] =	vst.idx.msk $0xffff, v15  }
0xb5: {  	v12 =	vor.u32 v12, v13;
	v55 =	vor.u32 v16, v14;
	[tilespmem:v5+s30+$0x0] =	vst.idx.msk $0xffff, v54  }
0xb6: {  	v13 =	vor.u32 v12, v17;
	[tilespmem:v6+s30+$0x0] =	vst.idx.msk $0xffff, v55  }
0xb7: {  	v12 =	vor.u32 v12, v14;
	[tilespmem:v7+s30+$0x0] =	vst.idx.msk $0xffff, v13  }
0xb8: {  	[tilespmem:v8+s30+$0x0] =	vst.idx.msk $0xffff, v12  }
0xb9: {  	v12 =	vld [tilespmem:$0xC80];
	_ =	sdelay $0x4  }
0xba: {  	v56 =	vshll.u32 v12, $0x1  }
0xbb: {  	v12 =	vand.u32 $0x7, v12;
	v13 =	vand.u32 $0xFFFFFFF0, v56  }
0xbc: {  	v12 =	vor.u32 v12, v13  }
0xbd: {  	v13 =	vperm.xlane v12, v9;
	_ =	sdelay $0x1  }
0xbe: {  	v12 =	vperm.xlane v12, v11;
	v13 =	vadd.s32 v10, v13;
	_ =	sdelay $0x1  }
0xbf: {  	v12 =	vadd.s32 v10, v12;
	_ =	sdelay $0x2  }
0xc0: {  	[tilespmem:s31], [sflag:$0x2] =	stream.indirect_vreg.gather [hbm4b:s1+s3], $0x80, v13, vm0, $0xb8;
	[tilespmem:$0x10D00] =	vst v63  }
0xc1: {  	_ = 	snop  }
0xc2: {  	[tilespmem:s0], [sflag:$0x2] =	stream.indirect_vreg.gather [hbm4b:s1+s3], $0x80, v12, vm0, $0xb8;
	[tilespmem:$0x10D00] =	vst v63  }
0xc3: {  	v12 =	vld [tilespmem:$0xC90];
	_ =	sdelay $0x4  }
0xc4: {  	v57 =	vshll.u32 v12, $0x1  }
0xc5: {  	v12 =	vand.u32 $0x7, v12;
	v13 =	vand.u32 $0xFFFFFFF0, v57  }
0xc6: {  	v12 =	vor.u32 v12, v13  }
0xc7: {  	v13 =	vperm.xlane v12, v9;
	_ =	sdelay $0x1  }
0xc8: {  	v12 =	vperm.xlane v12, v11;
	v13 =	vadd.s32 v10, v13;
	_ =	sdelay $0x1  }
0xc9: {  	v12 =	vadd.s32 v10, v12;
	_ =	sdelay $0x2  }
0xca: {  	[tilespmem:s2], [sflag:$0x2] =	stream.indirect_vreg.gather [hbm4b:s1+s3], $0x80, v13, vm0, $0xb8;
	[tilespmem:$0x10D00] =	vst v63  }
0xcb: {  	_ = 	snop  }
0xcc: {  	[tilespmem:s10], [sflag:$0x2] =	stream.indirect_vreg.gather [hbm4b:s1+s3], $0x80, v12, vm0, $0xb8;
	[tilespmem:$0x10D00] =	vst v63  }
0xcd: {  	v12 =	vld [tilespmem:$0xCA0];
	_ =	sdelay $0x4  }
0xce: {  	v58 =	vshll.u32 v12, $0x1  }
0xcf: {  	v12 =	vand.u32 $0x7, v12;
	v13 =	vand.u32 $0xFFFFFFF0, v58  }
0xd0: {  	v12 =	vor.u32 v12, v13  }
0xd1: {  	v13 =	vperm.xlane v12, v9;
	_ =	sdelay $0x1  }
0xd2: {  	v12 =	vperm.xlane v12, v11;
	v13 =	vadd.s32 v10, v13;
	_ =	sdelay $0x1  }
0xd3: {  	v12 =	vadd.s32 v10, v12;
	_ =	sdelay $0x2  }
0xd4: {  	[tilespmem:s11], [sflag:$0x2] =	stream.indirect_vreg.gather [hbm4b:s1+s3], $0x80, v13, vm0, $0xb8;
	[tilespmem:$0x10D00] =	vst v63  }
0xd5: {  	_ = 	snop  }
0xd6: {  	[tilespmem:s4], [sflag:$0x2] =	stream.indirect_vreg.gather [hbm4b:s1+s3], $0x80, v12, vm0, $0xb8;
	[tilespmem:$0x10D00] =	vst v63  }
0xd7: {  	v12 =	vld [tilespmem:$0xCB0];
	_ =	sdelay $0x4  }
0xd8: {  	v59 =	vshll.u32 v12, $0x1  }
0xd9: {  	v12 =	vand.u32 $0x7, v12;
	v13 =	vand.u32 $0xFFFFFFF0, v59  }
0xda: {  	v12 =	vor.u32 v12, v13  }
0xdb: {  	v13 =	vperm.xlane v12, v9;
	_ =	sdelay $0x1  }
0xdc: {  	v12 =	vperm.xlane v12, v11;
	v13 =	vadd.s32 v10, v13;
	_ =	sdelay $0x1  }
0xdd: {  	v12 =	vadd.s32 v10, v12;
	_ =	sdelay $0x2  }
0xde: {  	[tilespmem:s5], [sflag:$0x2] =	stream.indirect_vreg.gather [hbm4b:s1+s3], $0x80, v13, vm0, $0xb8;
	[tilespmem:$0x10D00] =	vst v63  }
0xdf: {  	_ = 	snop  }
0xe0: {  	[tilespmem:s6], [sflag:$0x2] =	stream.indirect_vreg.gather [hbm4b:s1+s3], $0x80, v12, vm0, $0xb8;
	[tilespmem:$0x10D00] =	vst v63  }
0xe1: {  	v12 =	vld [tilespmem:$0xCC0];
	_ =	sdelay $0x4  }
0xe2: {  	v60 =	vshll.u32 v12, $0x1  }
0xe3: {  	v12 =	vand.u32 $0x7, v12;
	v13 =	vand.u32 $0xFFFFFFF0, v60  }
0xe4: {  	v12 =	vor.u32 v12, v13  }
0xe5: {  	v13 =	vperm.xlane v12, v9;
	_ =	sdelay $0x1  }
0xe6: {  	v12 =	vperm.xlane v12, v11;
	v13 =	vadd.s32 v10, v13;
	_ =	sdelay $0x1  }
0xe7: {  	v12 =	vadd.s32 v10, v12;
	_ =	sdelay $0x2  }
0xe8: {  	[tilespmem:s7], [sflag:$0x2] =	stream.indirect_vreg.gather [hbm4b:s1+s3], $0x80, v13, vm0, $0xb8;
	[tilespmem:$0x10D00] =	vst v63  }
0xe9: {  	_ = 	snop  }
0xea: {  	[tilespmem:s8], [sflag:$0x2] =	stream.indirect_vreg.gather [hbm4b:s1+s3], $0x80, v12, vm0, $0xb8;
	[tilespmem:$0x10D00] =	vst v63  }
0xeb: {  	v12 =	vld [tilespmem:$0xCD0];
	_ =	sdelay $0x4  }
0xec: {  	v61 =	vshll.u32 v12, $0x1  }
0xed: {  	v12 =	vand.u32 $0x7, v12;
	v13 =	vand.u32 $0xFFFFFFF0, v61  }
0xee: {  	v12 =	vor.u32 v12, v13  }
0xef: {  	v13 =	vperm.xlane v12, v9;
	_ =	sdelay $0x1  }
0xf0: {  	v12 =	vperm.xlane v12, v11;
	v13 =	vadd.s32 v10, v13;
	_ =	sdelay $0x1  }
0xf1: {  	v12 =	vadd.s32 v10, v12;
	_ =	sdelay $0x2  }
0xf2: {  	[tilespmem:s9], [sflag:$0x2] =	stream.indirect_vreg.gather [hbm4b:s1+s3], $0x80, v13, vm0, $0xb8;
	[tilespmem:$0x10D00] =	vst v63  }
0xf3: {  	_ = 	snop  }
0xf4: {  	[tilespmem:s14], [sflag:$0x2] =	stream.indirect_vreg.gather [hbm4b:s1+s3], $0x80, v12, vm0, $0xb8;
	[tilespmem:$0x10D00] =	vst v63  }
0xf5: {  	v12 =	vld [tilespmem:$0xCE0];
	_ =	sdelay $0x4  }
0xf6: {  	v62 =	vshll.u32 v12, $0x1  }
0xf7: {  	v12 =	vand.u32 $0x7, v12;
	v13 =	vand.u32 $0xFFFFFFF0, v62  }
0xf8: {  	v12 =	vor.u32 v12, v13  }
0xf9: {  	v13 =	vperm.xlane v12, v9;
	_ =	sdelay $0x1  }
0xfa: {  	v12 =	vperm.xlane v12, v11;
	v13 =	vadd.s32 v10, v13;
	_ =	sdelay $0x1  }
0xfb: {  	v12 =	vadd.s32 v10, v12;
	_ =	sdelay $0x2  }
0xfc: {  	[tilespmem:s15], [sflag:$0x2] =	stream.indirect_vreg.gather [hbm4b:s1+s3], $0x80, v13, vm0, $0xb8;
	[tilespmem:$0x10D00] =	vst v63  }
0xfd: {  	_ = 	snop  }
0xfe: {  	[tilespmem:s16], [sflag:$0x2] =	stream.indirect_vreg.gather [hbm4b:s1+s3], $0x80, v12, vm0, $0xb8;
	[tilespmem:$0x10D00] =	vst v63  }
0xff: {  	v12 =	vld [tilespmem:$0xCF0];
	_ =	sdelay $0x4  }
0x100: {  	v63 =	vshll.u32 v12, $0x1  }
0x101: {  	v12 =	vand.u32 $0x7, v12;
	v13 =	vand.u32 $0xFFFFFFF0, v63  }
0x102: {  	v12 =	vor.u32 v12, v13  }
0x103: {  	v13 =	vperm.xlane v12, v9;
	_ =	sdelay $0x1  }
0x104: {  	v12 =	vperm.xlane v12, v11;
	v13 =	vadd.s32 v10, v13;
	_ =	sdelay $0x1  }
0x105: {  	v12 =	vadd.s32 v10, v12;
	_ =	sdelay $0x2  }
0x106: {  	[tilespmem:s17], [sflag:$0x2] =	stream.indirect_vreg.gather [hbm4b:s1+s3], $0x80, v13, vm0, $0xb8;
	[tilespmem:$0x10D00] =	vst v63  }
0x107: {  	s23 =	simm.s32 $0x0;
	s24 =	rddreg [dreg:$0x8]  }
0x108: {  	[tilespmem:s18], [sflag:$0x2] =	stream.indirect_vreg.gather [hbm4b:s1+s3], $0x80, v12, vm0, $0xb8;
	[tilespmem:$0x10D00] =	vst v63  }
.LBB2_2:
0x109: {  	_ =	swait.ge [sflag:s19], $0x8000  }
0x10a: {  	[sflag:s19] =	ssyncset.done $0x0  }
0x10b: {  	s25 =	sadd.s32 $0xFFFFF000, s24;
	[sflag:s19] =	ssyncadd.s32 $0xFFFF8000  }
0x10c: {  	[hbm4b:s25+s3] =	stream.linear.scatter [tilespmem:s13], [sflag:$0x3], $0x8000, $0x38;
	[tilespmem:$0x10D00] =	vst v63  }
0x10d: {  	_ =	swait.ge [sflag:s20], $0x8000  }
0x10e: {  	p0 =	seq.s32 s23, $0xF80;
	[sflag:s20] =	ssyncset.done $0x0  }
.Ltmp2:
0x10f: {  	[sflag:s20] =	ssyncadd.s32 $0xFFFF8000;
	(pc) =	sbr.rel @p0 .LBB2_4-.Ltmp2, $4  }
0x110: {  	[hbm4b:s24+s3] =	stream.linear.scatter [tilespmem:s31], [sflag:$0x4], $0x8000, $0x38;
	[tilespmem:$0x10D00] =	vst v63  }
0x111: {  	_ =	swait.ge [sflag:s21], $0x8000  }
0x112: {  	[sflag:s21] =	ssyncset.done $0x0  }
0x113: {  	[sflag:s21] =	ssyncadd.s32 $0xFFFF8000  }
0x114: {  	s25 =	sshra.s32 s23, $0x2  }
0x115: {  	v12 =	vld [tilespmem:s25+$0x20]  }
0x116: {  	v13 =	vld [tilespmem:s25+$0x420]  }
0x117: {  	v14 =	vld [tilespmem:s25+$0x820];
	_ =	sdelay $0x3  }
0x118: {  	v12 =	vadd.f32 $1.000000000e+00, v12;
	v13 =	vadd.f32 $1.000000000e+00, v13  }
0x119: {  	v14 =	vadd.f32 $1.000000000e+00, v14  }
0x11a: {  	v12 =	vmul.f32 $1.550000000e+01, v12;
	v13 =	vmul.f32 $1.550000000e+01, v13  }
0x11b: {  	v14 =	vmul.f32 $1.550000000e+01, v14  }
0x11c: {  	v12 =	vtrunc.f32 v12;
	v13 =	vtrunc.f32 v13  }
0x11d: {  	v14 =	vtrunc.f32 v14;
	v12 =	vcvt.f32.s32 v12  }
0x11e: {  	v13 =	vcvt.f32.s32 v13;
	v14 =	vcvt.f32.s32 v14;
	_ =	sdelay $0x1  }
0x11f: {  	vm1 =	vgt.s32 v12, $0x0;
	vm2 =	vgt.s32 v13, $0x0;
	vm3 =	vgt.s32 v14, $0x0  }
0x120: {  	v15 =	vnsel vm1, $0x0, v12;
	v16 =	vnsel vm2, $0x0, v13;
	v17 =	vnsel vm3, $0x0, v14  }
0x121: {  	v14 =	vadd.s32 $0x1, v14;
	v13 =	vadd.s32 $0x1, v13;
	v12 =	vadd.s32 $0x1, v12  }
0x122: {  	v15 =	vmin.u32 v15, $0x1F;
	v16 =	vmin.u32 v16, $0x1F;
	v17 =	vmin.u32 v17, $0x1F  }
0x123: {  	vm1 =	vgt.s32 v14, $0x0;
	v15 =	vshll.u32 v15, $0xA;
	v16 =	vshll.u32 v16, $0x5  }
0x124: {  	v14 =	vnsel vm1, $0x0, v14;
	vm1 =	vgt.s32 v13, $0x0;
	v17 =	vor.u32 v1, v17  }
0x125: {  	v18 =	vor.u32 v15, v16;
	v13 =	vnsel vm1, $0x0, v13;
	vm1 =	vgt.s32 v12, $0x0  }
0x126: {  	v14 =	vmin.u32 v14, $0x1F;
	v13 =	vmin.u32 v13, $0x1F;
	v12 =	vnsel vm1, $0x0, v12  }
0x127: {  	v19 =	vor.u32 v18, v17;
	v14 =	vor.u32 v1, v14;
	v13 =	vshll.u32 v13, $0x5  }
0x128: {  	[tilespmem:v0+s12+$0x0] =	vst.idx.msk $0xffff, v19;
	v18 =	vor.u32 v18, v14;
	v12 =	vmin.u32 v12, $0x1F;
	v15 =	vor.u32 v15, v13  }
0x129: {  	[tilespmem:v2+s12+$0x0] =	vst.idx.msk $0xffff, v18;
	v12 =	vshll.u32 v12, $0xA;
	v34 =	vor.u32 v15, v17  }
0x12a: {  	v15 =	vor.u32 v15, v14;
	v16 =	vor.u32 v16, v12;
	[tilespmem:v3+s12+$0x0] =	vst.idx.msk $0xffff, v34  }
0x12b: {  	v35 =	vor.u32 v16, v17;
	[tilespmem:v4+s12+$0x0] =	vst.idx.msk $0xffff, v15  }
0x12c: {  	v12 =	vor.u32 v12, v13;
	v36 =	vor.u32 v16, v14;
	[tilespmem:v5+s12+$0x0] =	vst.idx.msk $0xffff, v35  }
0x12d: {  	v13 =	vor.u32 v12, v17;
	[tilespmem:v6+s12+$0x0] =	vst.idx.msk $0xffff, v36  }
0x12e: {  	v12 =	vor.u32 v12, v14;
	[tilespmem:v7+s12+$0x0] =	vst.idx.msk $0xffff, v13  }
0x12f: {  	[tilespmem:v8+s12+$0x0] =	vst.idx.msk $0xffff, v12  }
0x130: {  	v12 =	vld [tilespmem:$0xC00];
	_ =	sdelay $0x4  }
0x131: {  	v37 =	vshll.u32 v12, $0x1  }
0x132: {  	v12 =	vand.u32 $0x7, v12;
	v13 =	vand.u32 $0xFFFFFFF0, v37  }
0x133: {  	v12 =	vor.u32 v12, v13  }
0x134: {  	v13 =	vperm.xlane v12, v9;
	_ =	sdelay $0x1  }
0x135: {  	v12 =	vperm.xlane v12, v11;
	v13 =	vadd.s32 v10, v13;
	_ =	sdelay $0x1  }
0x136: {  	v12 =	vadd.s32 v10, v12;
	_ =	sdelay $0x2  }
0x137: {  	[tilespmem:s13], [sflag:$0x1] =	stream.indirect_vreg.gather [hbm4b:s1+s3], $0x80, v13, vm0, $0xb8;
	[tilespmem:$0x10D00] =	vst v63  }
0x138: {  	s26 =	simm.s32 $0x1500  }
0x139: {  	[tilespmem:s26], [sflag:$0x1] =	stream.indirect_vreg.gather [hbm4b:s1+s3], $0x80, v12, vm0, $0xb8;
	[tilespmem:$0x10D00] =	vst v63  }
0x13a: {  	v12 =	vld [tilespmem:$0xC10];
	_ =	sdelay $0x4  }
0x13b: {  	v38 =	vshll.u32 v12, $0x1  }
0x13c: {  	v12 =	vand.u32 $0x7, v12;
	v13 =	vand.u32 $0xFFFFFFF0, v38  }
0x13d: {  	v12 =	vor.u32 v12, v13  }
0x13e: {  	v13 =	vperm.xlane v12, v9;
	_ =	sdelay $0x1  }
0x13f: {  	v12 =	vperm.xlane v12, v11;
	v13 =	vadd.s32 v10, v13;
	_ =	sdelay $0x1  }
0x140: {  	v12 =	vadd.s32 v10, v12;
	_ =	sdelay $0x1  }
0x141: {  	s26 =	simm.s32 $0x1D00  }
0x142: {  	[tilespmem:s26], [sflag:$0x1] =	stream.indirect_vreg.gather [hbm4b:s1+s3], $0x80, v13, vm0, $0xb8;
	[tilespmem:$0x10D00] =	vst v63  }
0x143: {  	s26 =	simm.s32 $0x2500  }
0x144: {  	[tilespmem:s26], [sflag:$0x1] =	stream.indirect_vreg.gather [hbm4b:s1+s3], $0x80, v12, vm0, $0xb8;
	[tilespmem:$0x10D00] =	vst v63  }
0x145: {  	v12 =	vld [tilespmem:$0xC20];
	_ =	sdelay $0x4  }
0x146: {  	v39 =	vshll.u32 v12, $0x1  }
0x147: {  	v12 =	vand.u32 $0x7, v12;
	v13 =	vand.u32 $0xFFFFFFF0, v39  }
0x148: {  	v12 =	vor.u32 v12, v13  }
0x149: {  	v13 =	vperm.xlane v12, v9;
	_ =	sdelay $0x1  }
0x14a: {  	v12 =	vperm.xlane v12, v11;
	v13 =	vadd.s32 v10, v13;
	_ =	sdelay $0x1  }
0x14b: {  	v12 =	vadd.s32 v10, v12;
	_ =	sdelay $0x1  }
0x14c: {  	s26 =	simm.s32 $0x2D00  }
0x14d: {  	[tilespmem:s26], [sflag:$0x1] =	stream.indirect_vreg.gather [hbm4b:s1+s3], $0x80, v13, vm0, $0xb8;
	[tilespmem:$0x10D00] =	vst v63  }
0x14e: {  	s26 =	simm.s32 $0x3500  }
0x14f: {  	[tilespmem:s26], [sflag:$0x1] =	stream.indirect_vreg.gather [hbm4b:s1+s3], $0x80, v12, vm0, $0xb8;
	[tilespmem:$0x10D00] =	vst v63  }
0x150: {  	v12 =	vld [tilespmem:$0xC30];
	_ =	sdelay $0x4  }
0x151: {  	v40 =	vshll.u32 v12, $0x1  }
0x152: {  	v12 =	vand.u32 $0x7, v12;
	v13 =	vand.u32 $0xFFFFFFF0, v40  }
0x153: {  	v12 =	vor.u32 v12, v13  }
0x154: {  	v13 =	vperm.xlane v12, v9;
	_ =	sdelay $0x1  }
0x155: {  	v12 =	vperm.xlane v12, v11;
	v13 =	vadd.s32 v10, v13;
	_ =	sdelay $0x1  }
0x156: {  	v12 =	vadd.s32 v10, v12;
	_ =	sdelay $0x1  }
0x157: {  	s26 =	simm.s32 $0x3D00  }
0x158: {  	[tilespmem:s26], [sflag:$0x1] =	stream.indirect_vreg.gather [hbm4b:s1+s3], $0x80, v13, vm0, $0xb8;
	[tilespmem:$0x10D00] =	vst v63  }
0x159: {  	s26 =	simm.s32 $0x4500  }
0x15a: {  	[tilespmem:s26], [sflag:$0x1] =	stream.indirect_vreg.gather [hbm4b:s1+s3], $0x80, v12, vm0, $0xb8;
	[tilespmem:$0x10D00] =	vst v63  }
0x15b: {  	v12 =	vld [tilespmem:$0xC40];
	_ =	sdelay $0x4  }
0x15c: {  	v41 =	vshll.u32 v12, $0x1  }
0x15d: {  	v12 =	vand.u32 $0x7, v12;
	v13 =	vand.u32 $0xFFFFFFF0, v41  }
0x15e: {  	v12 =	vor.u32 v12, v13  }
0x15f: {  	v13 =	vperm.xlane v12, v9;
	_ =	sdelay $0x1  }
0x160: {  	v12 =	vperm.xlane v12, v11;
	v13 =	vadd.s32 v10, v13;
	_ =	sdelay $0x1  }
0x161: {  	v12 =	vadd.s32 v10, v12;
	_ =	sdelay $0x1  }
0x162: {  	s26 =	simm.s32 $0x4D00  }
0x163: {  	[tilespmem:s26], [sflag:$0x1] =	stream.indirect_vreg.gather [hbm4b:s1+s3], $0x80, v13, vm0, $0xb8;
	[tilespmem:$0x10D00] =	vst v63  }
0x164: {  	s26 =	simm.s32 $0x5500  }
0x165: {  	[tilespmem:s26], [sflag:$0x1] =	stream.indirect_vreg.gather [hbm4b:s1+s3], $0x80, v12, vm0, $0xb8;
	[tilespmem:$0x10D00] =	vst v63  }
0x166: {  	v12 =	vld [tilespmem:$0xC50];
	_ =	sdelay $0x4  }
0x167: {  	v42 =	vshll.u32 v12, $0x1  }
0x168: {  	v12 =	vand.u32 $0x7, v12;
	v13 =	vand.u32 $0xFFFFFFF0, v42  }
0x169: {  	v12 =	vor.u32 v12, v13  }
0x16a: {  	v13 =	vperm.xlane v12, v9;
	_ =	sdelay $0x1  }
0x16b: {  	v12 =	vperm.xlane v12, v11;
	v13 =	vadd.s32 v10, v13;
	_ =	sdelay $0x1  }
0x16c: {  	v12 =	vadd.s32 v10, v12;
	_ =	sdelay $0x1  }
0x16d: {  	s26 =	simm.s32 $0x5D00  }
0x16e: {  	[tilespmem:s26], [sflag:$0x1] =	stream.indirect_vreg.gather [hbm4b:s1+s3], $0x80, v13, vm0, $0xb8;
	[tilespmem:$0x10D00] =	vst v63  }
0x16f: {  	s26 =	simm.s32 $0x6500  }
0x170: {  	[tilespmem:s26], [sflag:$0x1] =	stream.indirect_vreg.gather [hbm4b:s1+s3], $0x80, v12, vm0, $0xb8;
	[tilespmem:$0x10D00] =	vst v63  }
0x171: {  	v12 =	vld [tilespmem:$0xC60];
	_ =	sdelay $0x4  }
0x172: {  	v43 =	vshll.u32 v12, $0x1  }
0x173: {  	v12 =	vand.u32 $0x7, v12;
	v13 =	vand.u32 $0xFFFFFFF0, v43  }
0x174: {  	v12 =	vor.u32 v12, v13  }
0x175: {  	v13 =	vperm.xlane v12, v9;
	_ =	sdelay $0x1  }
0x176: {  	v12 =	vperm.xlane v12, v11;
	v13 =	vadd.s32 v10, v13;
	_ =	sdelay $0x1  }
0x177: {  	v12 =	vadd.s32 v10, v12;
	_ =	sdelay $0x1  }
0x178: {  	s26 =	simm.s32 $0x6D00  }
0x179: {  	[tilespmem:s26], [sflag:$0x1] =	stream.indirect_vreg.gather [hbm4b:s1+s3], $0x80, v13, vm0, $0xb8;
	[tilespmem:$0x10D00] =	vst v63  }
0x17a: {  	s26 =	simm.s32 $0x7500  }
0x17b: {  	[tilespmem:s26], [sflag:$0x1] =	stream.indirect_vreg.gather [hbm4b:s1+s3], $0x80, v12, vm0, $0xb8;
	[tilespmem:$0x10D00] =	vst v63  }
0x17c: {  	v12 =	vld [tilespmem:$0xC70];
	_ =	sdelay $0x4  }
0x17d: {  	v44 =	vshll.u32 v12, $0x1  }
0x17e: {  	v12 =	vand.u32 $0x7, v12;
	v13 =	vand.u32 $0xFFFFFFF0, v44  }
0x17f: {  	v12 =	vor.u32 v12, v13  }
0x180: {  	v13 =	vperm.xlane v12, v9;
	_ =	sdelay $0x1  }
0x181: {  	v12 =	vperm.xlane v12, v11;
	v13 =	vadd.s32 v10, v13;
	_ =	sdelay $0x1  }
0x182: {  	v12 =	vadd.s32 v10, v12;
	_ =	sdelay $0x2  }
0x183: {  	[tilespmem:s28], [sflag:$0x1] =	stream.indirect_vreg.gather [hbm4b:s1+s3], $0x80, v13, vm0, $0xb8;
	[tilespmem:$0x10D00] =	vst v63  }
0x184: {  	_ = 	snop  }
0x185: {  	[tilespmem:s29], [sflag:$0x1] =	stream.indirect_vreg.gather [hbm4b:s1+s3], $0x80, v12, vm0, $0xb8;
	[tilespmem:$0x10D00] =	vst v63  }
0x186: {  	_ =	swait.ge [sflag:s22], $0x8000  }
0x187: {  	[sflag:s22] =	ssyncset.done $0x0  }
0x188: {  	[sflag:s22] =	ssyncadd.s32 $0xFFFF8000  }
0x189: {  	v45 =	vld [tilespmem:s25+$0x30]  }
0x18a: {  	v46 =	vld [tilespmem:s25+$0x430]  }
0x18b: {  	v47 =	vld [tilespmem:s25+$0x830];
	_ =	sdelay $0x3  }
0x18c: {  	v12 =	vadd.f32 $1.000000000e+00, v45;
	v13 =	vadd.f32 $1.000000000e+00, v46  }
0x18d: {  	v14 =	vadd.f32 $1.000000000e+00, v47  }
0x18e: {  	v12 =	vmul.f32 $1.550000000e+01, v12;
	v13 =	vmul.f32 $1.550000000e+01, v13  }
0x18f: {  	v14 =	vmul.f32 $1.550000000e+01, v14  }
0x190: {  	v12 =	vtrunc.f32 v12;
	v13 =	vtrunc.f32 v13  }
0x191: {  	v14 =	vtrunc.f32 v14;
	v12 =	vcvt.f32.s32 v12  }
0x192: {  	v13 =	vcvt.f32.s32 v13;
	v14 =	vcvt.f32.s32 v14;
	_ =	sdelay $0x1  }
0x193: {  	vm1 =	vgt.s32 v12, $0x0;
	vm2 =	vgt.s32 v13, $0x0;
	vm3 =	vgt.s32 v14, $0x0  }
0x194: {  	v48 =	vnsel vm1, $0x0, v12;
	v49 =	vnsel vm2, $0x0, v13;
	v50 =	vnsel vm3, $0x0, v14  }
0x195: {  	v14 =	vadd.s32 $0x1, v14;
	v13 =	vadd.s32 $0x1, v13;
	v12 =	vadd.s32 $0x1, v12  }
0x196: {  	v15 =	vmin.u32 v48, $0x1F;
	v16 =	vmin.u32 v49, $0x1F;
	v17 =	vmin.u32 v50, $0x1F  }
0x197: {  	vm1 =	vgt.s32 v14, $0x0;
	v15 =	vshll.u32 v15, $0xA;
	v16 =	vshll.u32 v16, $0x5  }
0x198: {  	v14 =	vnsel vm1, $0x0, v14;
	vm1 =	vgt.s32 v13, $0x0;
	v17 =	vor.u32 v1, v17  }
0x199: {  	v51 =	vor.u32 v15, v16;
	v13 =	vnsel vm1, $0x0, v13;
	vm1 =	vgt.s32 v12, $0x0  }
0x19a: {  	v14 =	vmin.u32 v14, $0x1F;
	v13 =	vmin.u32 v13, $0x1F;
	v12 =	vnsel vm1, $0x0, v12  }
0x19b: {  	v52 =	vor.u32 v51, v17;
	v14 =	vor.u32 v1, v14;
	v13 =	vshll.u32 v13, $0x5  }
0x19c: {  	[tilespmem:v0+s30+$0x0] =	vst.idx.msk $0xffff, v52;
	v18 =	vor.u32 v51, v14;
	v12 =	vmin.u32 v12, $0x1F;
	v15 =	vor.u32 v15, v13  }
0x19d: {  	[tilespmem:v2+s30+$0x0] =	vst.idx.msk $0xffff, v18;
	v12 =	vshll.u32 v12, $0xA;
	v53 =	vor.u32 v15, v17  }
0x19e: {  	v15 =	vor.u32 v15, v14;
	v16 =	vor.u32 v16, v12;
	[tilespmem:v3+s30+$0x0] =	vst.idx.msk $0xffff, v53  }
0x19f: {  	v54 =	vor.u32 v16, v17;
	[tilespmem:v4+s30+$0x0] =	vst.idx.msk $0xffff, v15  }
0x1a0: {  	v12 =	vor.u32 v12, v13;
	v55 =	vor.u32 v16, v14;
	[tilespmem:v5+s30+$0x0] =	vst.idx.msk $0xffff, v54  }
0x1a1: {  	v13 =	vor.u32 v12, v17;
	[tilespmem:v6+s30+$0x0] =	vst.idx.msk $0xffff, v55  }
0x1a2: {  	v12 =	vor.u32 v12, v14;
	[tilespmem:v7+s30+$0x0] =	vst.idx.msk $0xffff, v13  }
0x1a3: {  	[tilespmem:v8+s30+$0x0] =	vst.idx.msk $0xffff, v12  }
0x1a4: {  	v12 =	vld [tilespmem:$0xC80];
	_ =	sdelay $0x4  }
0x1a5: {  	v56 =	vshll.u32 v12, $0x1  }
0x1a6: {  	v12 =	vand.u32 $0x7, v12;
	v13 =	vand.u32 $0xFFFFFFF0, v56  }
0x1a7: {  	v12 =	vor.u32 v12, v13  }
0x1a8: {  	v13 =	vperm.xlane v12, v9;
	_ =	sdelay $0x1  }
0x1a9: {  	v12 =	vperm.xlane v12, v11;
	v13 =	vadd.s32 v10, v13;
	_ =	sdelay $0x1  }
0x1aa: {  	v12 =	vadd.s32 v10, v12;
	_ =	sdelay $0x2  }
0x1ab: {  	[tilespmem:s31], [sflag:$0x2] =	stream.indirect_vreg.gather [hbm4b:s1+s3], $0x80, v13, vm0, $0xb8;
	[tilespmem:$0x10D00] =	vst v63  }
0x1ac: {  	_ = 	snop  }
0x1ad: {  	[tilespmem:s0], [sflag:$0x2] =	stream.indirect_vreg.gather [hbm4b:s1+s3], $0x80, v12, vm0, $0xb8;
	[tilespmem:$0x10D00] =	vst v63  }
0x1ae: {  	v12 =	vld [tilespmem:$0xC90];
	_ =	sdelay $0x4  }
0x1af: {  	v57 =	vshll.u32 v12, $0x1  }
0x1b0: {  	v12 =	vand.u32 $0x7, v12;
	v13 =	vand.u32 $0xFFFFFFF0, v57  }
0x1b1: {  	v12 =	vor.u32 v12, v13  }
0x1b2: {  	v13 =	vperm.xlane v12, v9;
	_ =	sdelay $0x1  }
0x1b3: {  	v12 =	vperm.xlane v12, v11;
	v13 =	vadd.s32 v10, v13;
	_ =	sdelay $0x1  }
0x1b4: {  	v12 =	vadd.s32 v10, v12;
	_ =	sdelay $0x2  }
0x1b5: {  	[tilespmem:s2], [sflag:$0x2] =	stream.indirect_vreg.gather [hbm4b:s1+s3], $0x80, v13, vm0, $0xb8;
	[tilespmem:$0x10D00] =	vst v63  }
0x1b6: {  	_ = 	snop  }
0x1b7: {  	[tilespmem:s10], [sflag:$0x2] =	stream.indirect_vreg.gather [hbm4b:s1+s3], $0x80, v12, vm0, $0xb8;
	[tilespmem:$0x10D00] =	vst v63  }
0x1b8: {  	v12 =	vld [tilespmem:$0xCA0];
	_ =	sdelay $0x4  }
0x1b9: {  	v58 =	vshll.u32 v12, $0x1  }
0x1ba: {  	v12 =	vand.u32 $0x7, v12;
	v13 =	vand.u32 $0xFFFFFFF0, v58  }
0x1bb: {  	v12 =	vor.u32 v12, v13  }
0x1bc: {  	v13 =	vperm.xlane v12, v9;
	_ =	sdelay $0x1  }
0x1bd: {  	v12 =	vperm.xlane v12, v11;
	v13 =	vadd.s32 v10, v13;
	_ =	sdelay $0x1  }
0x1be: {  	v12 =	vadd.s32 v10, v12;
	_ =	sdelay $0x2  }
0x1bf: {  	[tilespmem:s11], [sflag:$0x2] =	stream.indirect_vreg.gather [hbm4b:s1+s3], $0x80, v13, vm0, $0xb8;
	[tilespmem:$0x10D00] =	vst v63  }
0x1c0: {  	_ = 	snop  }
0x1c1: {  	[tilespmem:s4], [sflag:$0x2] =	stream.indirect_vreg.gather [hbm4b:s1+s3], $0x80, v12, vm0, $0xb8;
	[tilespmem:$0x10D00] =	vst v63  }
0x1c2: {  	v12 =	vld [tilespmem:$0xCB0];
	_ =	sdelay $0x4  }
0x1c3: {  	v59 =	vshll.u32 v12, $0x1  }
0x1c4: {  	v12 =	vand.u32 $0x7, v12;
	v13 =	vand.u32 $0xFFFFFFF0, v59  }
0x1c5: {  	v12 =	vor.u32 v12, v13  }
0x1c6: {  	v13 =	vperm.xlane v12, v9;
	_ =	sdelay $0x1  }
0x1c7: {  	v12 =	vperm.xlane v12, v11;
	v13 =	vadd.s32 v10, v13;
	_ =	sdelay $0x1  }
0x1c8: {  	v12 =	vadd.s32 v10, v12;
	_ =	sdelay $0x2  }
0x1c9: {  	[tilespmem:s5], [sflag:$0x2] =	stream.indirect_vreg.gather [hbm4b:s1+s3], $0x80, v13, vm0, $0xb8;
	[tilespmem:$0x10D00] =	vst v63  }
0x1ca: {  	_ = 	snop  }
0x1cb: {  	[tilespmem:s6], [sflag:$0x2] =	stream.indirect_vreg.gather [hbm4b:s1+s3], $0x80, v12, vm0, $0xb8;
	[tilespmem:$0x10D00] =	vst v63  }
0x1cc: {  	v12 =	vld [tilespmem:$0xCC0];
	_ =	sdelay $0x4  }
0x1cd: {  	v60 =	vshll.u32 v12, $0x1  }
0x1ce: {  	v12 =	vand.u32 $0x7, v12;
	v13 =	vand.u32 $0xFFFFFFF0, v60  }
0x1cf: {  	v12 =	vor.u32 v12, v13  }
0x1d0: {  	v13 =	vperm.xlane v12, v9;
	_ =	sdelay $0x1  }
0x1d1: {  	v12 =	vperm.xlane v12, v11;
	v13 =	vadd.s32 v10, v13;
	_ =	sdelay $0x1  }
0x1d2: {  	v12 =	vadd.s32 v10, v12;
	_ =	sdelay $0x2  }
0x1d3: {  	[tilespmem:s7], [sflag:$0x2] =	stream.indirect_vreg.gather [hbm4b:s1+s3], $0x80, v13, vm0, $0xb8;
	[tilespmem:$0x10D00] =	vst v63  }
0x1d4: {  	_ = 	snop  }
0x1d5: {  	[tilespmem:s8], [sflag:$0x2] =	stream.indirect_vreg.gather [hbm4b:s1+s3], $0x80, v12, vm0, $0xb8;
	[tilespmem:$0x10D00] =	vst v63  }
0x1d6: {  	v12 =	vld [tilespmem:$0xCD0];
	_ =	sdelay $0x4  }
0x1d7: {  	v61 =	vshll.u32 v12, $0x1  }
0x1d8: {  	v12 =	vand.u32 $0x7, v12;
	v13 =	vand.u32 $0xFFFFFFF0, v61  }
0x1d9: {  	v12 =	vor.u32 v12, v13  }
0x1da: {  	v13 =	vperm.xlane v12, v9;
	_ =	sdelay $0x1  }
0x1db: {  	v12 =	vperm.xlane v12, v11;
	v13 =	vadd.s32 v10, v13;
	_ =	sdelay $0x1  }
0x1dc: {  	v12 =	vadd.s32 v10, v12;
	_ =	sdelay $0x2  }
0x1dd: {  	[tilespmem:s9], [sflag:$0x2] =	stream.indirect_vreg.gather [hbm4b:s1+s3], $0x80, v13, vm0, $0xb8;
	[tilespmem:$0x10D00] =	vst v63  }
0x1de: {  	_ = 	snop  }
0x1df: {  	[tilespmem:s14], [sflag:$0x2] =	stream.indirect_vreg.gather [hbm4b:s1+s3], $0x80, v12, vm0, $0xb8;
	[tilespmem:$0x10D00] =	vst v63  }
0x1e0: {  	v12 =	vld [tilespmem:$0xCE0];
	_ =	sdelay $0x4  }
0x1e1: {  	v62 =	vshll.u32 v12, $0x1  }
0x1e2: {  	v12 =	vand.u32 $0x7, v12;
	v13 =	vand.u32 $0xFFFFFFF0, v62  }
0x1e3: {  	v12 =	vor.u32 v12, v13  }
0x1e4: {  	v13 =	vperm.xlane v12, v9;
	_ =	sdelay $0x1  }
0x1e5: {  	v12 =	vperm.xlane v12, v11;
	v13 =	vadd.s32 v10, v13;
	_ =	sdelay $0x1  }
0x1e6: {  	v12 =	vadd.s32 v10, v12;
	_ =	sdelay $0x2  }
0x1e7: {  	[tilespmem:s15], [sflag:$0x2] =	stream.indirect_vreg.gather [hbm4b:s1+s3], $0x80, v13, vm0, $0xb8;
	[tilespmem:$0x10D00] =	vst v63  }
0x1e8: {  	_ = 	snop  }
0x1e9: {  	[tilespmem:s16], [sflag:$0x2] =	stream.indirect_vreg.gather [hbm4b:s1+s3], $0x80, v12, vm0, $0xb8;
	[tilespmem:$0x10D00] =	vst v63  }
0x1ea: {  	v12 =	vld [tilespmem:$0xCF0];
	_ =	sdelay $0x4  }
0x1eb: {  	v63 =	vshll.u32 v12, $0x1  }
0x1ec: {  	v12 =	vand.u32 $0x7, v12;
	v13 =	vand.u32 $0xFFFFFFF0, v63  }
0x1ed: {  	v12 =	vor.u32 v12, v13  }
0x1ee: {  	v13 =	vperm.xlane v12, v9;
	_ =	sdelay $0x1  }
0x1ef: {  	v12 =	vperm.xlane v12, v11;
	v13 =	vadd.s32 v10, v13;
	_ =	sdelay $0x1  }
0x1f0: {  	v12 =	vadd.s32 v10, v12  }
.Ltmp3:
0x1f1: {  	_ = 	snop;
	(pc) =	sbr.rel .LBB2_2-.Ltmp3, $4  }
0x1f2: {  	_ = 	snop  }
0x1f3: {  	[tilespmem:s17], [sflag:$0x2] =	stream.indirect_vreg.gather [hbm4b:s1+s3], $0x80, v13, vm0, $0xb8;
	[tilespmem:$0x10D00] =	vst v63  }
0x1f4: {  	s24 =	sadd.s32 $0x2000, s24;
	s23 =	sadd.s32 $0x80, s23  }
0x1f5: {  	[tilespmem:s18], [sflag:$0x2] =	stream.indirect_vreg.gather [hbm4b:s1+s3], $0x80, v12, vm0, $0xb8;
	[tilespmem:$0x10D00] =	vst v63  }
.LBB2_5:
0x1f6: {  	_ =	sfence.sel $0x180000  }
0x1f7: {  	[bflag:$0x0] =	sbarrier.arrive $0xFFFF  }
0x1f8: {  	_ =	strace $0x90000047  }
0x1f9: {  	s0 =	stileid.u32;
	[bflag:$0x2] =	sbarrier.arrive $0xFFFF  }
0x1fa: {  	p0 =	sne.s32 s0, $0x0;
	s0 =	rddreg [dreg:$0x3]  }
0x1fb: {  	s0 =	sadd.s32 @!p0 $0x100000, s0  }
0x1fc: {  	[sflag:s0] =	ssyncadd.tile.s32 @!p0 $0x1;
	_ =	shalt  }
.Lfunc_end2:
_tile_overlayer_lowered:
.L_overlay_start_2:
0x1fd: {  	(tag) =	ssettag $0x2  }
0x1fe: {  	s0 =	rddreg [dreg:$0x0];
	s2 =	stileid.u32  }
0x1ff: {  	s1 =	rddreg [dreg:$0x1];
	p0 =	sne.s32 s2, $0x0  }
0x200: {  	s3 =	rddreg [dreg:$0x2];
	[bflag:$0x3] =	sbarrier.arrive $0xFFFF;
	s2 =	simm.s32 @!p0 $0x1C05  }
0x201: {  	[timem:s3], [sflag:s2] =	dma.local @!p0 [hbm:s0], s1  }
0x202: {  	s0 =	simm.s32 @!p0 $0x5  }
0x203: {  	_ =	swait.ge @!p0 [sflag:s0], s1  }
0x204: {  	s1 =	ssub.s32 @!p0 $0x0, s1;
	[sflag:s0] =	ssyncset.done @!p0 $0x0  }
0x205: {  	[sflag:s0] =	ssyncadd.s32 @!p0 s1  }
0x206: {  	[bflag:$0x3] =	sbarrier.arrive $0xFFFF  }
0x207: {  	_ =	shalt  }

</sc_bundles>
